<compile_context>
chip_gen: v7x
topology: tpu7x:2x2x1
jax: 0.10.2.dev20260603
libtpu: 0.0.44.dev20260713+nightly
codegen_flags: <defaults>
</compile_context>

<pallas_src>
import functools

import jax
import jax.numpy as jnp
from jax import lax
from jax.experimental import pallas as pl
from jax.experimental.pallas import tpu as pltpu
from jax.experimental.pallas import tpu_sc as plsc

N_NEI = 32
NOISE_MIN = 0.01
NOISE_MAX = 0.5

CHUNK = 2048
QBLK = 2048
NGPAD = 512

_F32_INF = 3.0e38
_I32_BIG = 2**30


def _fold_min(x, target_rows):
    r = x.shape[0]
    while r > target_rows:
        h = r // 2
        x = jnp.minimum(x[:h], x[h:])
        r = h
    return x


def _fold_argmin(v, i):
    r = v.shape[0]
    while r > 1:
        h = r // 2
        vt, vb = v[:h], v[h:]
        it, ib = i[:h], i[h:]
        take_b = (vb < vt) | ((vb == vt) & (ib < it))
        v = jnp.where(take_b, vb, vt)
        i = jnp.where(take_b, ib, it)
        r = h
    return v, i


def _topk_body(nchunk, nvalid_last, ft_ref, mb_ref, out_d_ref, out_i_ref,
               gmins_ref, gidxs_ref):
    c = pl.program_id(1)

    @pl.when(c == 0)
    def _init():
        gmins_ref[...] = jnp.full((NGPAD, QBLK), _F32_INF, jnp.float32)
        gidxs_ref[...] = jnp.full((NGPAD, QBLK), _I32_BIG, jnp.int32)

    m = mb_ref[...]
    limit = jnp.where(c == nchunk - 1, nvalid_last, CHUNK)
    rm = lax.broadcasted_iota(jnp.int32, (CHUNK, 64), 0)
    m = jnp.where(rm < limit, m, 3.0e4)

    f = ft_ref[...]
    cross = jnp.dot(m, f, preferred_element_type=jnp.float32)
    mbn = jnp.sum(m * m, axis=1, keepdims=True)
    fn = jnp.sum(f * f, axis=0, keepdims=True)
    d2 = (fn + mbn) - 2.0 * cross

    g = d2
    k = lax.broadcasted_iota(jnp.int32, (CHUNK, QBLK), 0)
    r = CHUNK
    while r > 8:
        h = r // 2
        take_b = g[h:] < g[:h]
        g = jnp.minimum(g[:h], g[h:])
        k = jnp.where(take_b, k[h:], k[:h])
        r = h
    gmins_ref[pl.ds(c * 8, 8), :] = g
    gidxs_ref[pl.ds(c * 8, 8), :] = k + c * CHUNK

    @pl.when(c == nchunk - 1)
    def _extract():
        gm = gmins_ref[...]
        _, idx0 = _fold_argmin(gm, gidxs_ref[...])
        outs = []
        for _ in range(N_NEI):
            mk = jnp.min(_fold_min(gm, 8), axis=0, keepdims=True)
            outs.append(mk)
            gm = jnp.where(gm == mk, _F32_INF, gm)
        d2s = jnp.concatenate(outs, axis=0)
        out_d_ref[...] = jnp.sqrt(jnp.maximum(d2s, 0.0) + 1e-8)
        out_i_ref[...] = jnp.broadcast_to(idx0, (8, QBLK))


def _knn_topk(ft, mb):
    nq = ft.shape[1]
    nmem = mb.shape[0]
    nchunk = (nmem + CHUNK - 1) // CHUNK
    nvalid_last = nmem - (nchunk - 1) * CHUNK
    grid = (nq // QBLK, nchunk)
    return pl.pallas_call(
        functools.partial(_topk_body, nchunk, nvalid_last),
        grid=grid,
        in_specs=[
            pl.BlockSpec((64, QBLK), lambda q, c: (0, q)),
            pl.BlockSpec((CHUNK, 64), lambda q, c: (c, 0)),
        ],
        out_specs=[
            pl.BlockSpec((N_NEI, QBLK), lambda q, c: (0, q)),
            pl.BlockSpec((8, QBLK), lambda q, c: (0, q)),
        ],
        out_shape=[
            jax.ShapeDtypeStruct((N_NEI, nq), jnp.float32),
            jax.ShapeDtypeStruct((8, nq), jnp.int32),
        ],
        scratch_shapes=[
            pltpu.VMEM((NGPAD, QBLK), jnp.float32),
            pltpu.VMEM((NGPAD, QBLK), jnp.int32),
        ],
    )(ft, mb)


def _sc_gather(table, idx):
    nrows, dim = table.shape
    b = idx.shape[0]
    info = plsc.get_sparse_core_info()
    nw = info.num_cores * info.num_subcores
    b_per_w = b // nw
    mesh = plsc.VectorSubcoreMesh(core_axis_name="c", subcore_axis_name="s")

    @functools.partial(
        pl.kernel, mesh=mesh,
        out_type=jax.ShapeDtypeStruct((b, dim), jnp.float32),
        scratch_types=[
            pltpu.VMEM((b_per_w,), jnp.int32),
            pltpu.VMEM((b_per_w, dim), jnp.float32),
            pltpu.SemaphoreType.DMA,
        ],
    )
    def k(table_hbm, idx_hbm, out_hbm, idx_v, rows_v, sem):
        wid = lax.axis_index("s") * info.num_cores + lax.axis_index("c")
        base = wid * b_per_w
        pltpu.sync_copy(idx_hbm.at[pl.ds(base, b_per_w)], idx_v)
        pltpu.async_copy(table_hbm.at[idx_v], rows_v, sem).wait()
        pltpu.sync_copy(rows_v, out_hbm.at[pl.ds(base, b_per_w)])

    return k(table, idx)


def _epilogue_body(f_ref, nn2_ref, par_ref, kd_ref, is_ref, ds_ref,
                   infl_ref, std_ref):
    f = f_ref[...]
    nn2 = nn2_ref[...]
    par = par_ref[...]
    nn = jnp.where(par == 0, nn2[:, :64], nn2[:, 64:])
    kd = kd_ref[...]
    d0 = kd[:, 0:1]
    infl = jnp.abs((f - nn) / (d0 + 1e-8))
    infl_ref[...] = infl
    imin = jnp.min(infl, axis=1, keepdims=True)
    imax = jnp.max(infl, axis=1, keepdims=True)
    inorm = (infl - imin) / (imax - imin + 1e-8)
    dsig = jnp.mean(kd, axis=1, keepdims=True)
    dmin = jnp.min(dsig)
    dmax = jnp.max(dsig)
    dnorm = (dsig - dmin) / (dmax - dmin + 1e-8)
    combined = is_ref[0, 0] * inorm + ds_ref[0, 0] * dnorm
    sig = 1.0 / (1.0 + jnp.exp(0.5 - combined))
    std_ref[...] = NOISE_MIN + (NOISE_MAX - NOISE_MIN) * sig


def _epilogue(features, nn2, parity, knn_d, infl_scale, dist_scale):
    n, d = features.shape
    return pl.pallas_call(
        _epilogue_body,
        out_shape=[
            jax.ShapeDtypeStruct((n, d), jnp.float32),
            jax.ShapeDtypeStruct((n, d), jnp.float32),
        ],
    )(features, nn2, parity.reshape(n, 1), knn_d,
      infl_scale.reshape(1, 1), dist_scale.reshape(1, 1))


def kernel(features, memory_bank, influence_scale, distance_scale):
    nmem = memory_bank.shape[0]
    mb2 = memory_bank.reshape(nmem // 2, 128)
    ft = features.T
    d32, idxrows = _knn_topk(ft, memory_bank)
    knn_d = d32.T
    idx0 = idxrows[0]
    nn2 = _sc_gather(mb2, idx0 >> 1)
    influence, noise_std = _epilogue(features, nn2, idx0 & 1, knn_d,
                                     influence_scale, distance_scale)
    return (influence, noise_std, knn_d)

# --- scband reference (transcript-rebuilt; emitter-appended) ---
"""Pipeline reference for scband-adaptive-noising-module-7696581394520 (READ-ONLY COPY).

The authoritative reference and input builder live on the scoring server;
editing this copy changes nothing except your own understanding.
"""

import jax, jax.numpy as jnp
import numpy as np

N_NEIGHBORS = 32
NOISE_STD_RANGE = (0.01, 0.5)
DISTANCE_BATCH_SIZE = 1024


def setup_inputs(seed: int = 0) -> dict:
    key = jax.random.key(seed)
    k1, k2 = jax.random.split(key, 2)
    features = jax.random.normal(k1, (4096, 64), dtype=jnp.float32)
    memory_bank = jax.random.normal(k2, (100000, 64), dtype=jnp.float32)
    influence_scale = jnp.ones((1,), dtype=jnp.float32)
    distance_scale = jnp.ones((1,), dtype=jnp.float32)
    return {"features": features, "memory_bank": memory_bank,
            "influence_scale": influence_scale, "distance_scale": distance_scale}


def _knn_batched(features, memory_bank, K, batch_size):
    N = features.shape[0]
    mem_norm_sq = (memory_bank ** 2).sum(axis=1)[None, :]
    mbT = memory_bank.T
    dist_chunks = []
    idx_chunks = []
    for start in range(0, N, batch_size):
        end = min(start + batch_size, N)
        bf = features[start:end]
        batch_norm_sq = (bf ** 2).sum(axis=1, keepdims=True)
        cross = bf @ mbT
        dist_sq = batch_norm_sq + mem_norm_sq - 2.0 * cross
        dist_sq = jnp.clip(dist_sq, 0.0, None)
        distances = jnp.sqrt(dist_sq + 1e-08)
        neg_topk, topk_idx = jax.lax.top_k(-distances, K)
        dist_chunks.append(-neg_topk)
        idx_chunks.append(topk_idx)
    knn_distances = jnp.concatenate(dist_chunks, axis=0)
    knn_indices = jnp.concatenate(idx_chunks, axis=0)
    nearest_neighbors = jnp.take(memory_bank, knn_indices[:, 0], axis=0)
    return knn_distances, knn_indices, nearest_neighbors


def reference(features, memory_bank, influence_scale, distance_scale):
    K = min(N_NEIGHBORS, memory_bank.shape[0])
    # analytical influence (torch.no_grad in original -> stop_gradient here)
    knn_distances, knn_indices, nearest_neighbors = _knn_batched(
        features, memory_bank, K, DISTANCE_BATCH_SIZE)
    diff = features - nearest_neighbors
    norm = knn_distances[:, 0:1] + 1e-08
    gradient = diff / norm
    influence = jnp.abs(gradient)
    influence = jax.lax.stop_gradient(influence)
    knn_distances = jax.lax.stop_gradient(knn_distances)

    # propose adaptive noise std
    influence_min = influence.min(axis=-1, keepdims=True)
    influence_max = influence.max(axis=-1, keepdims=True)
    influence_norm = (influence - influence_min) / (influence_max - influence_min + 1e-08)
    distance_signal = knn_distances.mean(axis=-1, keepdims=True)
    dist_min = distance_signal.min()
    dist_max = distance_signal.max()
    distance_norm = (distance_signal - dist_min) / (dist_max - dist_min + 1e-08)
    distance_norm = jnp.broadcast_to(distance_norm, influence_norm.shape)
    combined = influence_scale * influence_norm + distance_scale * distance_norm
    min_std, max_std = NOISE_STD_RANGE
    noise_std = min_std + (max_std - min_std) * jax.nn.sigmoid(combined - 0.5)
    return (influence, noise_std, knn_distances)

if __name__ == "__main__":
    import jax
    _d = setup_inputs()
    print(jax.jit(kernel)(*tuple(_d.values())))

</pallas_src>

<mosaic_0001>
#map = affine_map<(d0, d1) -> (0, 0)>
#map1 = affine_map<(d0, d1) -> (0)>
module attributes {stable_mosaic.version = 14 : i64} {
  func.func @k(%arg0: i32, %arg1: i32, %arg2: memref<50000x128xf32, #tpu.memory_space<hbm>>, %arg3: memref<4096xi32, #tpu.memory_space<hbm>>, %arg4: memref<4096x128xf32, #tpu.memory_space<hbm>>, %arg5: memref<128xi32, #tpu.memory_space<vmem>>, %arg6: memref<128x128xf32, #tpu.memory_space<vmem>>, %arg7: memref<!tpu.dma_semaphore, #tpu.memory_space<semaphore_mem>>) attributes {dimension_semantics = [#tpu.dimension_semantics<core_parallel>, #tpu.dimension_semantics<subcore_parallel>], iteration_bounds = array<i64: 2, 16>, scalar_prefetch = 0 : i64, scratch_operands = 3 : i64, tpu.core_type = #tpu.core_type<sc_vector_subcore>, window_params = [{transform_indices = #map}, {transform_indices = #map1}, {transform_indices = #map}]} {
    %mul3A = arith.constant 2 : i32
    %mul3A_0 = arith.muli %arg1, %mul3A : i32
    %add3A = arith.addi %mul3A_0, %arg0 : i32
    %mul3A_1 = arith.constant 128 : i32
    %mul3A_2 = arith.muli %add3A, %mul3A_1 : i32
    "tpu.region"() ({
      %run_scoped3A = tpu.sem_alloc : memref<!tpu.dma_semaphore, #tpu.memory_space<semaphore_mem>>
      %dma_start3A_7 = tpu.memref_slice %arg3[%mul3A_2] : memref<4096xi32, #tpu.memory_space<hbm>> -> memref<128xi32, #tpu.memory_space<hbm>>
      %dma_start3A_8 = tpu.memref_slice %arg3[%mul3A_2] : memref<4096xi32, #tpu.memory_space<hbm>> -> memref<128xi32, #tpu.memory_space<hbm>>
      tpu.enqueue_dma source(%dma_start3A_8 : memref<128xi32, #tpu.memory_space<hbm>>) target(%arg5 : memref<128xi32, #tpu.memory_space<vmem>>) target_semaphore(%run_scoped3A : memref<!tpu.dma_semaphore, #tpu.memory_space<semaphore_mem>>)
      %dma_wait3A_9 = tpu.memref_slice %arg3[%mul3A_2] : memref<4096xi32, #tpu.memory_space<hbm>> -> memref<128xi32, #tpu.memory_space<hbm>>
      %dma_wait3A_10 = tpu.memref_slice %arg3[%mul3A_2] : memref<4096xi32, #tpu.memory_space<hbm>> -> memref<128xi32, #tpu.memory_space<hbm>>
      tpu.wait_dma2 semaphore(%run_scoped3A : memref<!tpu.dma_semaphore, #tpu.memory_space<semaphore_mem>>) src(%dma_wait3A_10 : memref<128xi32, #tpu.memory_space<hbm>>) dst(%arg5 : memref<128xi32, #tpu.memory_space<vmem>>)
      tpu.yield
    }) : () -> ()
    %dma_start3A = arith.constant 0 : i32
    %dma_start3A_3 = arith.constant 0 : i32
    %dma_start3A_4 = tpu.memref_slice %arg2[%dma_start3A, %dma_start3A_3] : memref<50000x128xf32, #tpu.memory_space<hbm>> -> memref<50000x128xf32, #tpu.memory_space<hbm>>
    tpu.enqueue_indirect_dma source(%dma_start3A_4 : memref<50000x128xf32, #tpu.memory_space<hbm>>) target(%arg6 : memref<128x128xf32, #tpu.memory_space<vmem>>) offsets(%arg5 : memref<128xi32, #tpu.memory_space<vmem>>) semaphore(%arg7 : memref<!tpu.dma_semaphore, #tpu.memory_space<semaphore_mem>>)
    %dma_wait3A = arith.constant 0 : i32
    %dma_wait3A_5 = arith.constant 0 : i32
    %dma_wait3A_6 = tpu.memref_slice %arg2[%dma_wait3A, %dma_wait3A_5] : memref<50000x128xf32, #tpu.memory_space<hbm>> -> memref<50000x128xf32, #tpu.memory_space<hbm>>
    tpu.wait_indirect_dma semaphore(%arg7 : memref<!tpu.dma_semaphore, #tpu.memory_space<semaphore_mem>>) src(%dma_wait3A_6 : memref<50000x128xf32, #tpu.memory_space<hbm>>) dst(%arg6 : memref<128x128xf32, #tpu.memory_space<vmem>>)
    "tpu.region"() ({
      %run_scoped3A = tpu.sem_alloc : memref<!tpu.dma_semaphore, #tpu.memory_space<semaphore_mem>>
      %dma_start3A_7 = arith.constant 0 : i32
      %dma_start3A_8 = tpu.memref_slice %arg4[%mul3A_2, %dma_start3A_7] : memref<4096x128xf32, #tpu.memory_space<hbm>> -> memref<128x128xf32, #tpu.memory_space<hbm>>
      %dma_start3A_9 = arith.constant 0 : i32
      %dma_start3A_10 = tpu.memref_slice %arg4[%mul3A_2, %dma_start3A_9] : memref<4096x128xf32, #tpu.memory_space<hbm>> -> memref<128x128xf32, #tpu.memory_space<hbm>>
      tpu.enqueue_dma source(%arg6 : memref<128x128xf32, #tpu.memory_space<vmem>>) target(%dma_start3A_10 : memref<128x128xf32, #tpu.memory_space<hbm>>) target_semaphore(%run_scoped3A : memref<!tpu.dma_semaphore, #tpu.memory_space<semaphore_mem>>)
      %dma_wait3A_11 = arith.constant 0 : i32
      %dma_wait3A_12 = tpu.memref_slice %arg4[%mul3A_2, %dma_wait3A_11] : memref<4096x128xf32, #tpu.memory_space<hbm>> -> memref<128x128xf32, #tpu.memory_space<hbm>>
      %dma_wait3A_13 = arith.constant 0 : i32
      %dma_wait3A_14 = tpu.memref_slice %arg4[%mul3A_2, %dma_wait3A_13] : memref<4096x128xf32, #tpu.memory_space<hbm>> -> memref<128x128xf32, #tpu.memory_space<hbm>>
      tpu.wait_dma2 semaphore(%run_scoped3A : memref<!tpu.dma_semaphore, #tpu.memory_space<semaphore_mem>>) src(%arg6 : memref<128x128xf32, #tpu.memory_space<vmem>>) dst(%dma_wait3A_14 : memref<128x128xf32, #tpu.memory_space<hbm>>)
      tpu.yield
    }) : () -> ()
    return
  }
}

module attributes {stable_mosaic.version = 14 : i64} {
  func.func @_topk_body(%arg0: i32, %arg1: i32, %arg2: memref<64x2048xf32, #tpu.memory_space<vmem>>, %arg3: memref<2048x64xf32, #tpu.memory_space<vmem>>, %arg4: memref<32x2048xf32, #tpu.memory_space<vmem>>, %arg5: memref<8x2048xi32, #tpu.memory_space<vmem>>, %arg6: memref<512x2048xf32, #tpu.memory_space<vmem>>, %arg7: memref<512x2048xi32, #tpu.memory_space<vmem>>) attributes {dimension_semantics = [#tpu.dimension_semantics<arbitrary>, #tpu.dimension_semantics<arbitrary>], iteration_bounds = array<i64: 2, 49>, scalar_prefetch = 0 : i64, scratch_operands = 2 : i64, tpu.core_type = #tpu.core_type<tc>, window_params = [{transform_indices = @transform_0, window_bounds = array<i64: 64, 2048>}, {transform_indices = @transform_1, window_bounds = array<i64: 2048, 64>}, {transform_indices = @transform_2, window_bounds = array<i64: 32, 2048>}, {transform_indices = @transform_3, window_bounds = array<i64: 8, 2048>}]} {
    %eq3A = arith.constant 0 : i32
    %eq3A_0 = arith.cmpi eq, %arg1, %eq3A : i32
    %convert_element_type3A = arith.extui %eq3A_0 : i1 to i32
    %cond3A = arith.constant 0 : i32
    %cond3A_1 = arith.cmpi ne, %convert_element_type3A, %cond3A : i32
    scf.if %cond3A_1 {
      %broadcast_in_dim3A_114 = arith.constant 3.000000e+38 : f32
      %broadcast_in_dim3A_115 = vector.broadcast %broadcast_in_dim3A_114 : f32 to vector<512x2048xf32>
      %swap3A_116 = arith.constant 0 : index
      %swap3A_117 = arith.constant 0 : index
      %swap3A_118 = vector.load %arg6[%swap3A_116, %swap3A_117] : memref<512x2048xf32, #tpu.memory_space<vmem>>, vector<512x2048xf32>
      tpu.vector_store %arg6[%swap3A_116, %swap3A_117], %broadcast_in_dim3A_115 {strides = array<i32>} : memref<512x2048xf32, #tpu.memory_space<vmem>>, vector<512x2048xf32>,
      %broadcast_in_dim3A_119 = arith.constant 1073741824 : i32
      %broadcast_in_dim3A_120 = vector.broadcast %broadcast_in_dim3A_119 : i32 to vector<512x2048xi32>
      %swap3A_121 = arith.constant 0 : index
      %swap3A_122 = arith.constant 0 : index
      %swap3A_123 = vector.load %arg7[%swap3A_121, %swap3A_122] : memref<512x2048xi32, #tpu.memory_space<vmem>>, vector<512x2048xi32>
      tpu.vector_store %arg7[%swap3A_121, %swap3A_122], %broadcast_in_dim3A_120 {strides = array<i32>} : memref<512x2048xi32, #tpu.memory_space<vmem>>, vector<512x2048xi32>,
    } else {
    }
    %get3A = arith.constant 0 : index
    %get3A_2 = arith.constant 0 : index
    %get3A_3 = vector.load %arg3[%get3A, %get3A_2] : memref<2048x64xf32, #tpu.memory_space<vmem>>, vector<2048x64xf32>
    %eq3A_4 = arith.constant 48 : i32
    %eq3A_5 = arith.cmpi eq, %arg1, %eq3A_4 : i32
    %jit3A = arith.constant 1696 : i32
    %jit3A_6 = arith.constant 2048 : i32
    %select_n3A = arith.select %eq3A_5, %jit3A, %jit3A_6 : i32
    %iota3A = tpu.iota {dimensions = array<i32: 0>} : vector<2048x64xi32>
    %lt3A = vector.broadcast %select_n3A : i32 to vector<2048x64xi32>
    %lt3A_7 = arith.cmpi slt, %iota3A, %lt3A : vector<2048x64xi32>
    %jit3A_8 = arith.constant 3.000000e+04 : f32
    %broadcast_in_dim3A = vector.broadcast %jit3A_8 : f32 to vector<2048x64xf32>
    %select_n3A_9 = arith.select %lt3A_7, %get3A_3, %broadcast_in_dim3A : vector<2048x64xi1>, vector<2048x64xf32>
    %get3A_10 = arith.constant 0 : index
    %get3A_11 = arith.constant 0 : index
    %get3A_12 = vector.load %arg2[%get3A_10, %get3A_11] : memref<64x2048xf32, #tpu.memory_space<vmem>>, vector<64x2048xf32>
    %dot_general3A = arith.constant dense<0.000000e+00> : vector<2048x2048xf32>
    %dot_general3A_13 = tpu.matmul %select_n3A_9, %get3A_12, %dot_general3A {dimension_numbers = #tpu.dot_dimension_numbers<[1], [0], [0], [1], [0, 0, 1, 1], [], []>, transpose_lhs_hint = false} : vector<2048x64xf32>, vector<64x2048xf32>, vector<2048x2048xf32> -> vector<2048x2048xf32>
    %mul3A = arith.mulf %select_n3A_9, %select_n3A_9 : vector<2048x64xf32>
    %reduce_sum3A = arith.constant dense<0.000000e+00> : vector<2048xf32>
    %reduce_sum3A_14 = vector.multi_reduction <add>, %mul3A, %reduce_sum3A [1] : vector<2048x64xf32> to vector<2048xf32>
    %broadcast_in_dim3A_15 = vector.shape_cast %reduce_sum3A_14 : vector<2048xf32> to vector<2048x1xf32>
    %mul3A_16 = arith.mulf %get3A_12, %get3A_12 : vector<64x2048xf32>
    %reduce_sum3A_17 = arith.constant dense<0.000000e+00> : vector<2048xf32>
    %reduce_sum3A_18 = vector.multi_reduction <add>, %mul3A_16, %reduce_sum3A_17 [0] : vector<64x2048xf32> to vector<2048xf32>
    %broadcast_in_dim3A_19 = vector.shape_cast %reduce_sum3A_18 : vector<2048xf32> to vector<1x2048xf32>
    %add3A = vector.broadcast %broadcast_in_dim3A_19 : vector<1x2048xf32> to vector<2048x2048xf32>
    %add3A_20 = vector.broadcast %broadcast_in_dim3A_15 : vector<2048x1xf32> to vector<2048x2048xf32>
    %add3A_21 = arith.addf %add3A, %add3A_20 : vector<2048x2048xf32>
    %mul3A_22 = arith.constant 2.000000e+00 : f32
    %mul3A_23 = vector.broadcast %mul3A_22 : f32 to vector<2048x2048xf32>
    %mul3A_24 = arith.mulf %mul3A_23, %dot_general3A_13 : vector<2048x2048xf32>
    %sub3A = arith.subf %add3A_21, %mul3A_24 : vector<2048x2048xf32>
    %iota3A_25 = tpu.iota {dimensions = array<i32: 0>} : vector<2048x2048xi32>
    %slice3A = vector.extract_strided_slice %sub3A {offsets = [1024, 0], sizes = [1024, 2048], strides = [1, 1]} : vector<2048x2048xf32> to vector<1024x2048xf32>
    %slice3A_26 = vector.extract_strided_slice %sub3A {offsets = [0, 0], sizes = [1024, 2048], strides = [1, 1]} : vector<2048x2048xf32> to vector<1024x2048xf32>
    %lt3A_27 = arith.cmpf olt, %slice3A, %slice3A_26 : vector<1024x2048xf32>
    %slice3A_28 = vector.extract_strided_slice %sub3A {offsets = [0, 0], sizes = [1024, 2048], strides = [1, 1]} : vector<2048x2048xf32> to vector<1024x2048xf32>
    %slice3A_29 = vector.extract_strided_slice %sub3A {offsets = [1024, 0], sizes = [1024, 2048], strides = [1, 1]} : vector<2048x2048xf32> to vector<1024x2048xf32>
    %min3A = arith.minimumf %slice3A_28, %slice3A_29 : vector<1024x2048xf32>
    %slice3A_30 = vector.extract_strided_slice %iota3A_25 {offsets = [1024, 0], sizes = [1024, 2048], strides = [1, 1]} : vector<2048x2048xi32> to vector<1024x2048xi32>
    %slice3A_31 = vector.extract_strided_slice %iota3A_25 {offsets = [0, 0], sizes = [1024, 2048], strides = [1, 1]} : vector<2048x2048xi32> to vector<1024x2048xi32>
    %select_n3A_32 = arith.select %lt3A_27, %slice3A_30, %slice3A_31 : vector<1024x2048xi1>, vector<1024x2048xi32>
    %slice3A_33 = vector.extract_strided_slice %min3A {offsets = [512, 0], sizes = [512, 2048], strides = [1, 1]} : vector<1024x2048xf32> to vector<512x2048xf32>
    %slice3A_34 = vector.extract_strided_slice %min3A {offsets = [0, 0], sizes = [512, 2048], strides = [1, 1]} : vector<1024x2048xf32> to vector<512x2048xf32>
    %lt3A_35 = arith.cmpf olt, %slice3A_33, %slice3A_34 : vector<512x2048xf32>
    %slice3A_36 = vector.extract_strided_slice %min3A {offsets = [0, 0], sizes = [512, 2048], strides = [1, 1]} : vector<1024x2048xf32> to vector<512x2048xf32>
    %slice3A_37 = vector.extract_strided_slice %min3A {offsets = [512, 0], sizes = [512, 2048], strides = [1, 1]} : vector<1024x2048xf32> to vector<512x2048xf32>
    %min3A_38 = arith.minimumf %slice3A_36, %slice3A_37 : vector<512x2048xf32>
    %slice3A_39 = vector.extract_strided_slice %select_n3A_32 {offsets = [512, 0], sizes = [512, 2048], strides = [1, 1]} : vector<1024x2048xi32> to vector<512x2048xi32>
    %slice3A_40 = vector.extract_strided_slice %select_n3A_32 {offsets = [0, 0], sizes = [512, 2048], strides = [1, 1]} : vector<1024x2048xi32> to vector<512x2048xi32>
    %select_n3A_41 = arith.select %lt3A_35, %slice3A_39, %slice3A_40 : vector<512x2048xi1>, vector<512x2048xi32>
    %slice3A_42 = vector.extract_strided_slice %min3A_38 {offsets = [256, 0], sizes = [256, 2048], strides = [1, 1]} : vector<512x2048xf32> to vector<256x2048xf32>
    %slice3A_43 = vector.extract_strided_slice %min3A_38 {offsets = [0, 0], sizes = [256, 2048], strides = [1, 1]} : vector<512x2048xf32> to vector<256x2048xf32>
    %lt3A_44 = arith.cmpf olt, %slice3A_42, %slice3A_43 : vector<256x2048xf32>
    %slice3A_45 = vector.extract_strided_slice %min3A_38 {offsets = [0, 0], sizes = [256, 2048], strides = [1, 1]} : vector<512x2048xf32> to vector<256x2048xf32>
    %slice3A_46 = vector.extract_strided_slice %min3A_38 {offsets = [256, 0], sizes = [256, 2048], strides = [1, 1]} : vector<512x2048xf32> to vector<256x2048xf32>
    %min3A_47 = arith.minimumf %slice3A_45, %slice3A_46 : vector<256x2048xf32>
    %slice3A_48 = vector.extract_strided_slice %select_n3A_41 {offsets = [256, 0], sizes = [256, 2048], strides = [1, 1]} : vector<512x2048xi32> to vector<256x2048xi32>
    %slice3A_49 = vector.extract_strided_slice %select_n3A_41 {offsets = [0, 0], sizes = [256, 2048], strides = [1, 1]} : vector<512x2048xi32> to vector<256x2048xi32>
    %select_n3A_50 = arith.select %lt3A_44, %slice3A_48, %slice3A_49 : vector<256x2048xi1>, vector<256x2048xi32>
    %slice3A_51 = vector.extract_strided_slice %min3A_47 {offsets = [128, 0], sizes = [128, 2048], strides = [1, 1]} : vector<256x2048xf32> to vector<128x2048xf32>
    %slice3A_52 = vector.extract_strided_slice %min3A_47 {offsets = [0, 0], sizes = [128, 2048], strides = [1, 1]} : vector<256x2048xf32> to vector<128x2048xf32>
    %lt3A_53 = arith.cmpf olt, %slice3A_51, %slice3A_52 : vector<128x2048xf32>
    %slice3A_54 = vector.extract_strided_slice %min3A_47 {offsets = [0, 0], sizes = [128, 2048], strides = [1, 1]} : vector<256x2048xf32> to vector<128x2048xf32>
    %slice3A_55 = vector.extract_strided_slice %min3A_47 {offsets = [128, 0], sizes = [128, 2048], strides = [1, 1]} : vector<256x2048xf32> to vector<128x2048xf32>
    %min3A_56 = arith.minimumf %slice3A_54, %slice3A_55 : vector<128x2048xf32>
    %slice3A_57 = vector.extract_strided_slice %select_n3A_50 {offsets = [128, 0], sizes = [128, 2048], strides = [1, 1]} : vector<256x2048xi32> to vector<128x2048xi32>
    %slice3A_58 = vector.extract_strided_slice %select_n3A_50 {offsets = [0, 0], sizes = [128, 2048], strides = [1, 1]} : vector<256x2048xi32> to vector<128x2048xi32>
    %select_n3A_59 = arith.select %lt3A_53, %slice3A_57, %slice3A_58 : vector<128x2048xi1>, vector<128x2048xi32>
    %slice3A_60 = vector.extract_strided_slice %min3A_56 {offsets = [64, 0], sizes = [64, 2048], strides = [1, 1]} : vector<128x2048xf32> to vector<64x2048xf32>
    %slice3A_61 = vector.extract_strided_slice %min3A_56 {offsets = [0, 0], sizes = [64, 2048], strides = [1, 1]} : vector<128x2048xf32> to vector<64x2048xf32>
    %lt3A_62 = arith.cmpf olt, %slice3A_60, %slice3A_61 : vector<64x2048xf32>
    %slice3A_63 = vector.extract_strided_slice %min3A_56 {offsets = [0, 0], sizes = [64, 2048], strides = [1, 1]} : vector<128x2048xf32> to vector<64x2048xf32>
    %slice3A_64 = vector.extract_strided_slice %min3A_56 {offsets = [64, 0], sizes = [64, 2048], strides = [1, 1]} : vector<128x2048xf32> to vector<64x2048xf32>
    %min3A_65 = arith.minimumf %slice3A_63, %slice3A_64 : vector<64x2048xf32>
    %slice3A_66 = vector.extract_strided_slice %select_n3A_59 {offsets = [64, 0], sizes = [64, 2048], strides = [1, 1]} : vector<128x2048xi32> to vector<64x2048xi32>
    %slice3A_67 = vector.extract_strided_slice %select_n3A_59 {offsets = [0, 0], sizes = [64, 2048], strides = [1, 1]} : vector<128x2048xi32> to vector<64x2048xi32>
    %select_n3A_68 = arith.select %lt3A_62, %slice3A_66, %slice3A_67 : vector<64x2048xi1>, vector<64x2048xi32>
    %slice3A_69 = vector.extract_strided_slice %min3A_65 {offsets = [32, 0], sizes = [32, 2048], strides = [1, 1]} : vector<64x2048xf32> to vector<32x2048xf32>
    %slice3A_70 = vector.extract_strided_slice %min3A_65 {offsets = [0, 0], sizes = [32, 2048], strides = [1, 1]} : vector<64x2048xf32> to vector<32x2048xf32>
    %lt3A_71 = arith.cmpf olt, %slice3A_69, %slice3A_70 : vector<32x2048xf32>
    %slice3A_72 = vector.extract_strided_slice %min3A_65 {offsets = [0, 0], sizes = [32, 2048], strides = [1, 1]} : vector<64x2048xf32> to vector<32x2048xf32>
    %slice3A_73 = vector.extract_strided_slice %min3A_65 {offsets = [32, 0], sizes = [32, 2048], strides = [1, 1]} : vector<64x2048xf32> to vector<32x2048xf32>
    %min3A_74 = arith.minimumf %slice3A_72, %slice3A_73 : vector<32x2048xf32>
    %slice3A_75 = vector.extract_strided_slice %select_n3A_68 {offsets = [32, 0], sizes = [32, 2048], strides = [1, 1]} : vector<64x2048xi32> to vector<32x2048xi32>
    %slice3A_76 = vector.extract_strided_slice %select_n3A_68 {offsets = [0, 0], sizes = [32, 2048], strides = [1, 1]} : vector<64x2048xi32> to vector<32x2048xi32>
    %select_n3A_77 = arith.select %lt3A_71, %slice3A_75, %slice3A_76 : vector<32x2048xi1>, vector<32x2048xi32>
    %slice3A_78 = vector.extract_strided_slice %min3A_74 {offsets = [16, 0], sizes = [16, 2048], strides = [1, 1]} : vector<32x2048xf32> to vector<16x2048xf32>
    %slice3A_79 = vector.extract_strided_slice %min3A_74 {offsets = [0, 0], sizes = [16, 2048], strides = [1, 1]} : vector<32x2048xf32> to vector<16x2048xf32>
    %lt3A_80 = arith.cmpf olt, %slice3A_78, %slice3A_79 : vector<16x2048xf32>
    %slice3A_81 = vector.extract_strided_slice %min3A_74 {offsets = [0, 0], sizes = [16, 2048], strides = [1, 1]} : vector<32x2048xf32> to vector<16x2048xf32>
    %slice3A_82 = vector.extract_strided_slice %min3A_74 {offsets = [16, 0], sizes = [16, 2048], strides = [1, 1]} : vector<32x2048xf32> to vector<16x2048xf32>
    %min3A_83 = arith.minimumf %slice3A_81, %slice3A_82 : vector<16x2048xf32>
    %slice3A_84 = vector.extract_strided_slice %select_n3A_77 {offsets = [16, 0], sizes = [16, 2048], strides = [1, 1]} : vector<32x2048xi32> to vector<16x2048xi32>
    %slice3A_85 = vector.extract_strided_slice %select_n3A_77 {offsets = [0, 0], sizes = [16, 2048], strides = [1, 1]} : vector<32x2048xi32> to vector<16x2048xi32>
    %select_n3A_86 = arith.select %lt3A_80, %slice3A_84, %slice3A_85 : vector<16x2048xi1>, vector<16x2048xi32>
    %slice3A_87 = vector.extract_strided_slice %min3A_83 {offsets = [8, 0], sizes = [8, 2048], strides = [1, 1]} : vector<16x2048xf32> to vector<8x2048xf32>
    %slice3A_88 = vector.extract_strided_slice %min3A_83 {offsets = [0, 0], sizes = [8, 2048], strides = [1, 1]} : vector<16x2048xf32> to vector<8x2048xf32>
    %lt3A_89 = arith.cmpf olt, %slice3A_87, %slice3A_88 : vector<8x2048xf32>
    %slice3A_90 = vector.extract_strided_slice %min3A_83 {offsets = [0, 0], sizes = [8, 2048], strides = [1, 1]} : vector<16x2048xf32> to vector<8x2048xf32>
    %slice3A_91 = vector.extract_strided_slice %min3A_83 {offsets = [8, 0], sizes = [8, 2048], strides = [1, 1]} : vector<16x2048xf32> to vector<8x2048xf32>
    %min3A_92 = arith.minimumf %slice3A_90, %slice3A_91 : vector<8x2048xf32>
    %slice3A_93 = vector.extract_strided_slice %select_n3A_86 {offsets = [8, 0], sizes = [8, 2048], strides = [1, 1]} : vector<16x2048xi32> to vector<8x2048xi32>
    %slice3A_94 = vector.extract_strided_slice %select_n3A_86 {offsets = [0, 0], sizes = [8, 2048], strides = [1, 1]} : vector<16x2048xi32> to vector<8x2048xi32>
    %select_n3A_95 = arith.select %lt3A_89, %slice3A_93, %slice3A_94 : vector<8x2048xi1>, vector<8x2048xi32>
    %mul3A_96 = arith.constant 8 : i32
    %mul3A_97 = arith.muli %arg1, %mul3A_96 : i32
    %swap3A = arith.index_cast %mul3A_97 : i32 to index
    %swap3A_98 = arith.constant 0 : index
    %swap3A_99 = vector.load %arg6[%swap3A, %swap3A_98] : memref<512x2048xf32, #tpu.memory_space<vmem>>, vector<8x2048xf32>
    tpu.vector_store %arg6[%swap3A, %swap3A_98], %min3A_92 {strides = array<i32>} : memref<512x2048xf32, #tpu.memory_space<vmem>>, vector<8x2048xf32>,
    %mul3A_100 = arith.constant 2048 : i32
    %mul3A_101 = arith.muli %arg1, %mul3A_100 : i32
    %add3A_102 = vector.broadcast %mul3A_101 : i32 to vector<8x2048xi32>
    %add3A_103 = arith.addi %select_n3A_95, %add3A_102 : vector<8x2048xi32>
    %mul3A_104 = arith.constant 8 : i32
    %mul3A_105 = arith.muli %arg1, %mul3A_104 : i32
    %swap3A_106 = arith.index_cast %mul3A_105 : i32 to index
    %swap3A_107 = arith.constant 0 : index
    %swap3A_108 = vector.load %arg7[%swap3A_106, %swap3A_107] : memref<512x2048xi32, #tpu.memory_space<vmem>>, vector<8x2048xi32>
    tpu.vector_store %arg7[%swap3A_106, %swap3A_107], %add3A_103 {strides = array<i32>} : memref<512x2048xi32, #tpu.memory_space<vmem>>, vector<8x2048xi32>,
    %eq3A_109 = arith.constant 48 : i32
    %eq3A_110 = arith.cmpi eq, %arg1, %eq3A_109 : i32
    %convert_element_type3A_111 = arith.extui %eq3A_110 : i1 to i32
    %cond3A_112 = arith.constant 0 : i32
    %cond3A_113 = arith.cmpi ne, %convert_element_type3A_111, %cond3A_112 : i32
    scf.if %cond3A_113 {
      %get3A_114 = arith.constant 0 : index
      %get3A_115 = arith.constant 0 : index
      %get3A_116 = vector.load %arg6[%get3A_114, %get3A_115] : memref<512x2048xf32, #tpu.memory_space<vmem>>, vector<512x2048xf32>
      %get3A_117 = arith.constant 0 : index
      %get3A_118 = arith.constant 0 : index
      %get3A_119 = vector.load %arg7[%get3A_117, %get3A_118] : memref<512x2048xi32, #tpu.memory_space<vmem>>, vector<512x2048xi32>
      %slice3A_120 = vector.extract_strided_slice %get3A_116 {offsets = [0, 0], sizes = [256, 2048], strides = [1, 1]} : vector<512x2048xf32> to vector<256x2048xf32>
      %slice3A_121 = vector.extract_strided_slice %get3A_116 {offsets = [256, 0], sizes = [256, 2048], strides = [1, 1]} : vector<512x2048xf32> to vector<256x2048xf32>
      %slice3A_122 = vector.extract_strided_slice %get3A_119 {offsets = [0, 0], sizes = [256, 2048], strides = [1, 1]} : vector<512x2048xi32> to vector<256x2048xi32>
      %slice3A_123 = vector.extract_strided_slice %get3A_119 {offsets = [256, 0], sizes = [256, 2048], strides = [1, 1]} : vector<512x2048xi32> to vector<256x2048xi32>
      %lt3A_124 = arith.cmpf olt, %slice3A_121, %slice3A_120 : vector<256x2048xf32>
      %eq3A_125 = arith.cmpf oeq, %slice3A_121, %slice3A_120 : vector<256x2048xf32>
      %lt3A_126 = arith.cmpi slt, %slice3A_123, %slice3A_122 : vector<256x2048xi32>
      %and3A = arith.andi %eq3A_125, %lt3A_126 : vector<256x2048xi1>
      %or3A = arith.ori %lt3A_124, %and3A : vector<256x2048xi1>
      %select_n3A_127 = arith.select %or3A, %slice3A_121, %slice3A_120 : vector<256x2048xi1>, vector<256x2048xf32>
      %select_n3A_128 = arith.select %or3A, %slice3A_123, %slice3A_122 : vector<256x2048xi1>, vector<256x2048xi32>
      %slice3A_129 = vector.extract_strided_slice %select_n3A_127 {offsets = [0, 0], sizes = [128, 2048], strides = [1, 1]} : vector<256x2048xf32> to vector<128x2048xf32>
      %slice3A_130 = vector.extract_strided_slice %select_n3A_127 {offsets = [128, 0], sizes = [128, 2048], strides = [1, 1]} : vector<256x2048xf32> to vector<128x2048xf32>
      %slice3A_131 = vector.extract_strided_slice %select_n3A_128 {offsets = [0, 0], sizes = [128, 2048], strides = [1, 1]} : vector<256x2048xi32> to vector<128x2048xi32>
      %slice3A_132 = vector.extract_strided_slice %select_n3A_128 {offsets = [128, 0], sizes = [128, 2048], strides = [1, 1]} : vector<256x2048xi32> to vector<128x2048xi32>
      %lt3A_133 = arith.cmpf olt, %slice3A_130, %slice3A_129 : vector<128x2048xf32>
      %eq3A_134 = arith.cmpf oeq, %slice3A_130, %slice3A_129 : vector<128x2048xf32>
      %lt3A_135 = arith.cmpi slt, %slice3A_132, %slice3A_131 : vector<128x2048xi32>
      %and3A_136 = arith.andi %eq3A_134, %lt3A_135 : vector<128x2048xi1>
      %or3A_137 = arith.ori %lt3A_133, %and3A_136 : vector<128x2048xi1>
      %select_n3A_138 = arith.select %or3A_137, %slice3A_130, %slice3A_129 : vector<128x2048xi1>, vector<128x2048xf32>
      %select_n3A_139 = arith.select %or3A_137, %slice3A_132, %slice3A_131 : vector<128x2048xi1>, vector<128x2048xi32>
      %slice3A_140 = vector.extract_strided_slice %select_n3A_138 {offsets = [0, 0], sizes = [64, 2048], strides = [1, 1]} : vector<128x2048xf32> to vector<64x2048xf32>
      %slice3A_141 = vector.extract_strided_slice %select_n3A_138 {offsets = [64, 0], sizes = [64, 2048], strides = [1, 1]} : vector<128x2048xf32> to vector<64x2048xf32>
      %slice3A_142 = vector.extract_strided_slice %select_n3A_139 {offsets = [0, 0], sizes = [64, 2048], strides = [1, 1]} : vector<128x2048xi32> to vector<64x2048xi32>
      %slice3A_143 = vector.extract_strided_slice %select_n3A_139 {offsets = [64, 0], sizes = [64, 2048], strides = [1, 1]} : vector<128x2048xi32> to vector<64x2048xi32>
      %lt3A_144 = arith.cmpf olt, %slice3A_141, %slice3A_140 : vector<64x2048xf32>
      %eq3A_145 = arith.cmpf oeq, %slice3A_141, %slice3A_140 : vector<64x2048xf32>
      %lt3A_146 = arith.cmpi slt, %slice3A_143, %slice3A_142 : vector<64x2048xi32>
      %and3A_147 = arith.andi %eq3A_145, %lt3A_146 : vector<64x2048xi1>
      %or3A_148 = arith.ori %lt3A_144, %and3A_147 : vector<64x2048xi1>
      %select_n3A_149 = arith.select %or3A_148, %slice3A_141, %slice3A_140 : vector<64x2048xi1>, vector<64x2048xf32>
      %select_n3A_150 = arith.select %or3A_148, %slice3A_143, %slice3A_142 : vector<64x2048xi1>, vector<64x2048xi32>
      %slice3A_151 = vector.extract_strided_slice %select_n3A_149 {offsets = [0, 0], sizes = [32, 2048], strides = [1, 1]} : vector<64x2048xf32> to vector<32x2048xf32>
      %slice3A_152 = vector.extract_strided_slice %select_n3A_149 {offsets = [32, 0], sizes = [32, 2048], strides = [1, 1]} : vector<64x2048xf32> to vector<32x2048xf32>
      %slice3A_153 = vector.extract_strided_slice %select_n3A_150 {offsets = [0, 0], sizes = [32, 2048], strides = [1, 1]} : vector<64x2048xi32> to vector<32x2048xi32>
      %slice3A_154 = vector.extract_strided_slice %select_n3A_150 {offsets = [32, 0], sizes = [32, 2048], strides = [1, 1]} : vector<64x2048xi32> to vector<32x2048xi32>
      %lt3A_155 = arith.cmpf olt, %slice3A_152, %slice3A_151 : vector<32x2048xf32>
      %eq3A_156 = arith.cmpf oeq, %slice3A_152, %slice3A_151 : vector<32x2048xf32>
      %lt3A_157 = arith.cmpi slt, %slice3A_154, %slice3A_153 : vector<32x2048xi32>
      %and3A_158 = arith.andi %eq3A_156, %lt3A_157 : vector<32x2048xi1>
      %or3A_159 = arith.ori %lt3A_155, %and3A_158 : vector<32x2048xi1>
      %select_n3A_160 = arith.select %or3A_159, %slice3A_152, %slice3A_151 : vector<32x2048xi1>, vector<32x2048xf32>
      %select_n3A_161 = arith.select %or3A_159, %slice3A_154, %slice3A_153 : vector<32x2048xi1>, vector<32x2048xi32>
      %slice3A_162 = vector.extract_strided_slice %select_n3A_160 {offsets = [0, 0], sizes = [16, 2048], strides = [1, 1]} : vector<32x2048xf32> to vector<16x2048xf32>
      %slice3A_163 = vector.extract_strided_slice %select_n3A_160 {offsets = [16, 0], sizes = [16, 2048], strides = [1, 1]} : vector<32x2048xf32> to vector<16x2048xf32>
      %slice3A_164 = vector.extract_strided_slice %select_n3A_161 {offsets = [0, 0], sizes = [16, 2048], strides = [1, 1]} : vector<32x2048xi32> to vector<16x2048xi32>
      %slice3A_165 = vector.extract_strided_slice %select_n3A_161 {offsets = [16, 0], sizes = [16, 2048], strides = [1, 1]} : vector<32x2048xi32> to vector<16x2048xi32>
      %lt3A_166 = arith.cmpf olt, %slice3A_163, %slice3A_162 : vector<16x2048xf32>
      %eq3A_167 = arith.cmpf oeq, %slice3A_163, %slice3A_162 : vector<16x2048xf32>
      %lt3A_168 = arith.cmpi slt, %slice3A_165, %slice3A_164 : vector<16x2048xi32>
      %and3A_169 = arith.andi %eq3A_167, %lt3A_168 : vector<16x2048xi1>
      %or3A_170 = arith.ori %lt3A_166, %and3A_169 : vector<16x2048xi1>
      %select_n3A_171 = arith.select %or3A_170, %slice3A_163, %slice3A_162 : vector<16x2048xi1>, vector<16x2048xf32>
      %select_n3A_172 = arith.select %or3A_170, %slice3A_165, %slice3A_164 : vector<16x2048xi1>, vector<16x2048xi32>
      %slice3A_173 = vector.extract_strided_slice %select_n3A_171 {offsets = [0, 0], sizes = [8, 2048], strides = [1, 1]} : vector<16x2048xf32> to vector<8x2048xf32>
      %slice3A_174 = vector.extract_strided_slice %select_n3A_171 {offsets = [8, 0], sizes = [8, 2048], strides = [1, 1]} : vector<16x2048xf32> to vector<8x2048xf32>
      %slice3A_175 = vector.extract_strided_slice %select_n3A_172 {offsets = [0, 0], sizes = [8, 2048], strides = [1, 1]} : vector<16x2048xi32> to vector<8x2048xi32>
      %slice3A_176 = vector.extract_strided_slice %select_n3A_172 {offsets = [8, 0], sizes = [8, 2048], strides = [1, 1]} : vector<16x2048xi32> to vector<8x2048xi32>
      %lt3A_177 = arith.cmpf olt, %slice3A_174, %slice3A_173 : vector<8x2048xf32>
      %eq3A_178 = arith.cmpf oeq, %slice3A_174, %slice3A_173 : vector<8x2048xf32>
      %lt3A_179 = arith.cmpi slt, %slice3A_176, %slice3A_175 : vector<8x2048xi32>
      %and3A_180 = arith.andi %eq3A_178, %lt3A_179 : vector<8x2048xi1>
      %or3A_181 = arith.ori %lt3A_177, %and3A_180 : vector<8x2048xi1>
      %select_n3A_182 = arith.select %or3A_181, %slice3A_174, %slice3A_173 : vector<8x2048xi1>, vector<8x2048xf32>
      %select_n3A_183 = arith.select %or3A_181, %slice3A_176, %slice3A_175 : vector<8x2048xi1>, vector<8x2048xi32>
      %slice3A_184 = vector.extract_strided_slice %select_n3A_182 {offsets = [0, 0], sizes = [4, 2048], strides = [1, 1]} : vector<8x2048xf32> to vector<4x2048xf32>
      %slice3A_185 = vector.extract_strided_slice %select_n3A_182 {offsets = [4, 0], sizes = [4, 2048], strides = [1, 1]} : vector<8x2048xf32> to vector<4x2048xf32>
      %slice3A_186 = vector.extract_strided_slice %select_n3A_183 {offsets = [0, 0], sizes = [4, 2048], strides = [1, 1]} : vector<8x2048xi32> to vector<4x2048xi32>
      %slice3A_187 = vector.extract_strided_slice %select_n3A_183 {offsets = [4, 0], sizes = [4, 2048], strides = [1, 1]} : vector<8x2048xi32> to vector<4x2048xi32>
      %lt3A_188 = arith.cmpf olt, %slice3A_185, %slice3A_184 : vector<4x2048xf32>
      %eq3A_189 = arith.cmpf oeq, %slice3A_185, %slice3A_184 : vector<4x2048xf32>
      %lt3A_190 = arith.cmpi slt, %slice3A_187, %slice3A_186 : vector<4x2048xi32>
      %and3A_191 = arith.andi %eq3A_189, %lt3A_190 : vector<4x2048xi1>
      %or3A_192 = arith.ori %lt3A_188, %and3A_191 : vector<4x2048xi1>
      %select_n3A_193 = arith.select %or3A_192, %slice3A_185, %slice3A_184 : vector<4x2048xi1>, vector<4x2048xf32>
      %select_n3A_194 = arith.select %or3A_192, %slice3A_187, %slice3A_186 : vector<4x2048xi1>, vector<4x2048xi32>
      %slice3A_195 = vector.extract_strided_slice %select_n3A_193 {offsets = [0, 0], sizes = [2, 2048], strides = [1, 1]} : vector<4x2048xf32> to vector<2x2048xf32>
      %slice3A_196 = vector.extract_strided_slice %select_n3A_193 {offsets = [2, 0], sizes = [2, 2048], strides = [1, 1]} : vector<4x2048xf32> to vector<2x2048xf32>
      %slice3A_197 = vector.extract_strided_slice %select_n3A_194 {offsets = [0, 0], sizes = [2, 2048], strides = [1, 1]} : vector<4x2048xi32> to vector<2x2048xi32>
      %slice3A_198 = vector.extract_strided_slice %select_n3A_194 {offsets = [2, 0], sizes = [2, 2048], strides = [1, 1]} : vector<4x2048xi32> to vector<2x2048xi32>
      %lt3A_199 = arith.cmpf olt, %slice3A_196, %slice3A_195 : vector<2x2048xf32>
      %eq3A_200 = arith.cmpf oeq, %slice3A_196, %slice3A_195 : vector<2x2048xf32>
      %lt3A_201 = arith.cmpi slt, %slice3A_198, %slice3A_197 : vector<2x2048xi32>
      %and3A_202 = arith.andi %eq3A_200, %lt3A_201 : vector<2x2048xi1>
      %or3A_203 = arith.ori %lt3A_199, %and3A_202 : vector<2x2048xi1>
      %select_n3A_204 = arith.select %or3A_203, %slice3A_196, %slice3A_195 : vector<2x2048xi1>, vector<2x2048xf32>
      %select_n3A_205 = arith.select %or3A_203, %slice3A_198, %slice3A_197 : vector<2x2048xi1>, vector<2x2048xi32>
      %slice3A_206 = vector.extract_strided_slice %select_n3A_204 {offsets = [0, 0], sizes = [1, 2048], strides = [1, 1]} : vector<2x2048xf32> to vector<1x2048xf32>
      %slice3A_207 = vector.extract_strided_slice %select_n3A_204 {offsets = [1, 0], sizes = [1, 2048], strides = [1, 1]} : vector<2x2048xf32> to vector<1x2048xf32>
      %slice3A_208 = vector.extract_strided_slice %select_n3A_205 {offsets = [0, 0], sizes = [1, 2048], strides = [1, 1]} : vector<2x2048xi32> to vector<1x2048xi32>
      %slice3A_209 = vector.extract_strided_slice %select_n3A_205 {offsets = [1, 0], sizes = [1, 2048], strides = [1, 1]} : vector<2x2048xi32> to vector<1x2048xi32>
      %lt3A_210 = arith.cmpf olt, %slice3A_207, %slice3A_206 : vector<1x2048xf32>
      %eq3A_211 = arith.cmpf oeq, %slice3A_207, %slice3A_206 : vector<1x2048xf32>
      %lt3A_212 = arith.cmpi slt, %slice3A_209, %slice3A_208 : vector<1x2048xi32>
      %and3A_213 = arith.andi %eq3A_211, %lt3A_212 : vector<1x2048xi1>
      %or3A_214 = arith.ori %lt3A_210, %and3A_213 : vector<1x2048xi1>
      %select_n3A_215 = arith.select %or3A_214, %slice3A_209, %slice3A_208 : vector<1x2048xi1>, vector<1x2048xi32>
      %slice3A_216 = vector.extract_strided_slice %get3A_116 {offsets = [0, 0], sizes = [256, 2048], strides = [1, 1]} : vector<512x2048xf32> to vector<256x2048xf32>
      %slice3A_217 = vector.extract_strided_slice %get3A_116 {offsets = [256, 0], sizes = [256, 2048], strides = [1, 1]} : vector<512x2048xf32> to vector<256x2048xf32>
      %min3A_218 = arith.minimumf %slice3A_216, %slice3A_217 : vector<256x2048xf32>
      %slice3A_219 = vector.extract_strided_slice %min3A_218 {offsets = [0, 0], sizes = [128, 2048], strides = [1, 1]} : vector<256x2048xf32> to vector<128x2048xf32>
      %slice3A_220 = vector.extract_strided_slice %min3A_218 {offsets = [128, 0], sizes = [128, 2048], strides = [1, 1]} : vector<256x2048xf32> to vector<128x2048xf32>
      %min3A_221 = arith.minimumf %slice3A_219, %slice3A_220 : vector<128x2048xf32>
      %slice3A_222 = vector.extract_strided_slice %min3A_221 {offsets = [0, 0], sizes = [64, 2048], strides = [1, 1]} : vector<128x2048xf32> to vector<64x2048xf32>
      %slice3A_223 = vector.extract_strided_slice %min3A_221 {offsets = [64, 0], sizes = [64, 2048], strides = [1, 1]} : vector<128x2048xf32> to vector<64x2048xf32>
      %min3A_224 = arith.minimumf %slice3A_222, %slice3A_223 : vector<64x2048xf32>
      %slice3A_225 = vector.extract_strided_slice %min3A_224 {offsets = [0, 0], sizes = [32, 2048], strides = [1, 1]} : vector<64x2048xf32> to vector<32x2048xf32>
      %slice3A_226 = vector.extract_strided_slice %min3A_224 {offsets = [32, 0], sizes = [32, 2048], strides = [1, 1]} : vector<64x2048xf32> to vector<32x2048xf32>
      %min3A_227 = arith.minimumf %slice3A_225, %slice3A_226 : vector<32x2048xf32>
      %slice3A_228 = vector.extract_strided_slice %min3A_227 {offsets = [0, 0], sizes = [16, 2048], strides = [1, 1]} : vector<32x2048xf32> to vector<16x2048xf32>
      %slice3A_229 = vector.extract_strided_slice %min3A_227 {offsets = [16, 0], sizes = [16, 2048], strides = [1, 1]} : vector<32x2048xf32> to vector<16x2048xf32>
      %min3A_230 = arith.minimumf %slice3A_228, %slice3A_229 : vector<16x2048xf32>
      %slice3A_231 = vector.extract_strided_slice %min3A_230 {offsets = [0, 0], sizes = [8, 2048], strides = [1, 1]} : vector<16x2048xf32> to vector<8x2048xf32>
      %slice3A_232 = vector.extract_strided_slice %min3A_230 {offsets = [8, 0], sizes = [8, 2048], strides = [1, 1]} : vector<16x2048xf32> to vector<8x2048xf32>
      %min3A_233 = arith.minimumf %slice3A_231, %slice3A_232 : vector<8x2048xf32>
      %reduce_min3A = arith.constant dense<0x7F800000> : vector<2048xf32>
      %reduce_min3A_234 = vector.multi_reduction <minimumf>, %min3A_233, %reduce_min3A [0] : vector<8x2048xf32> to vector<2048xf32>
      %broadcast_in_dim3A_235 = vector.shape_cast %reduce_min3A_234 : vector<2048xf32> to vector<1x2048xf32>
      %eq3A_236 = vector.broadcast %broadcast_in_dim3A_235 : vector<1x2048xf32> to vector<512x2048xf32>
      %eq3A_237 = arith.cmpf oeq, %get3A_116, %eq3A_236 : vector<512x2048xf32>
      %jit3A_238 = arith.constant 3.000000e+38 : f32
      %broadcast_in_dim3A_239 = vector.broadcast %jit3A_238 : f32 to vector<512x2048xf32>
      %select_n3A_240 = arith.select %eq3A_237, %broadcast_in_dim3A_239, %get3A_116 : vector<512x2048xi1>, vector<512x2048xf32>
      %slice3A_241 = vector.extract_strided_slice %select_n3A_240 {offsets = [0, 0], sizes = [256, 2048], strides = [1, 1]} : vector<512x2048xf32> to vector<256x2048xf32>
      %slice3A_242 = vector.extract_strided_slice %select_n3A_240 {offsets = [256, 0], sizes = [256, 2048], strides = [1, 1]} : vector<512x2048xf32> to vector<256x2048xf32>
      %min3A_243 = arith.minimumf %slice3A_241, %slice3A_242 : vector<256x2048xf32>
      %slice3A_244 = vector.extract_strided_slice %min3A_243 {offsets = [0, 0], sizes = [128, 2048], strides = [1, 1]} : vector<256x2048xf32> to vector<128x2048xf32>
      %slice3A_245 = vector.extract_strided_slice %min3A_243 {offsets = [128, 0], sizes = [128, 2048], strides = [1, 1]} : vector<256x2048xf32> to vector<128x2048xf32>
      %min3A_246 = arith.minimumf %slice3A_244, %slice3A_245 : vector<128x2048xf32>
      %slice3A_247 = vector.extract_strided_slice %min3A_246 {offsets = [0, 0], sizes = [64, 2048], strides = [1, 1]} : vector<128x2048xf32> to vector<64x2048xf32>
      %slice3A_248 = vector.extract_strided_slice %min3A_246 {offsets = [64, 0], sizes = [64, 2048], strides = [1, 1]} : vector<128x2048xf32> to vector<64x2048xf32>
      %min3A_249 = arith.minimumf %slice3A_247, %slice3A_248 : vector<64x2048xf32>
      %slice3A_250 = vector.extract_strided_slice %min3A_249 {offsets = [0, 0], sizes = [32, 2048], strides = [1, 1]} : vector<64x2048xf32> to vector<32x2048xf32>
      %slice3A_251 = vector.extract_strided_slice %min3A_249 {offsets = [32, 0], sizes = [32, 2048], strides = [1, 1]} : vector<64x2048xf32> to vector<32x2048xf32>
      %min3A_252 = arith.minimumf %slice3A_250, %slice3A_251 : vector<32x2048xf32>
      %slice3A_253 = vector.extract_strided_slice %min3A_252 {offsets = [0, 0], sizes = [16, 2048], strides = [1, 1]} : vector<32x2048xf32> to vector<16x2048xf32>
      %slice3A_254 = vector.extract_strided_slice %min3A_252 {offsets = [16, 0], sizes = [16, 2048], strides = [1, 1]} : vector<32x2048xf32> to vector<16x2048xf32>
      %min3A_255 = arith.minimumf %slice3A_253, %slice3A_254 : vector<16x2048xf32>
      %slice3A_256 = vector.extract_strided_slice %min3A_255 {offsets = [0, 0], sizes = [8, 2048], strides = [1, 1]} : vector<16x2048xf32> to vector<8x2048xf32>
      %slice3A_257 = vector.extract_strided_slice %min3A_255 {offsets = [8, 0], sizes = [8, 2048], strides = [1, 1]} : vector<16x2048xf32> to vector<8x2048xf32>
      %min3A_258 = arith.minimumf %slice3A_256, %slice3A_257 : vector<8x2048xf32>
      %reduce_min3A_259 = arith.constant dense<0x7F800000> : vector<2048xf32>
      %reduce_min3A_260 = vector.multi_reduction <minimumf>, %min3A_258, %reduce_min3A_259 [0] : vector<8x2048xf32> to vector<2048xf32>
      %broadcast_in_dim3A_261 = vector.shape_cast %reduce_min3A_260 : vector<2048xf32> to vector<1x2048xf32>
      %eq3A_262 = vector.broadcast %broadcast_in_dim3A_261 : vector<1x2048xf32> to vector<512x2048xf32>
      %eq3A_263 = arith.cmpf oeq, %select_n3A_240, %eq3A_262 : vector<512x2048xf32>
      %jit3A_264 = arith.constant 3.000000e+38 : f32
      %broadcast_in_dim3A_265 = vector.broadcast %jit3A_264 : f32 to vector<512x2048xf32>
      %select_n3A_266 = arith.select %eq3A_263, %broadcast_in_dim3A_265, %select_n3A_240 : vector<512x2048xi1>, vector<512x2048xf32>
      %slice3A_267 = vector.extract_strided_slice %select_n3A_266 {offsets = [0, 0], sizes = [256, 2048], strides = [1, 1]} : vector<512x2048xf32> to vector<256x2048xf32>
      %slice3A_268 = vector.extract_strided_slice %select_n3A_266 {offsets = [256, 0], sizes = [256, 2048], strides = [1, 1]} : vector<512x2048xf32> to vector<256x2048xf32>
      %min3A_269 = arith.minimumf %slice3A_267, %slice3A_268 : vector<256x2048xf32>
      %slice3A_270 = vector.extract_strided_slice %min3A_269 {offsets = [0, 0], sizes = [128, 2048], strides = [1, 1]} : vector<256x2048xf32> to vector<128x2048xf32>
      %slice3A_271 = vector.extract_strided_slice %min3A_269 {offsets = [128, 0], sizes = [128, 2048], strides = [1, 1]} : vector<256x2048xf32> to vector<128x2048xf32>
      %min3A_272 = arith.minimumf %slice3A_270, %slice3A_271 : vector<128x2048xf32>
      %slice3A_273 = vector.extract_strided_slice %min3A_272 {offsets = [0, 0], sizes = [64, 2048], strides = [1, 1]} : vector<128x2048xf32> to vector<64x2048xf32>
      %slice3A_274 = vector.extract_strided_slice %min3A_272 {offsets = [64, 0], sizes = [64, 2048], strides = [1, 1]} : vector<128x2048xf32> to vector<64x2048xf32>
      %min3A_275 = arith.minimumf %slice3A_273, %slice3A_274 : vector<64x2048xf32>
      %slice3A_276 = vector.extract_strided_slice %min3A_275 {offsets = [0, 0], sizes = [32, 2048], strides = [1, 1]} : vector<64x2048xf32> to vector<32x2048xf32>
      %slice3A_277 = vector.extract_strided_slice %min3A_275 {offsets = [32, 0], sizes = [32, 2048], strides = [1, 1]} : vector<64x2048xf32> to vector<32x2048xf32>
      %min3A_278 = arith.minimumf %slice3A_276, %slice3A_277 : vector<32x2048xf32>
      %slice3A_279 = vector.extract_strided_slice %min3A_278 {offsets = [0, 0], sizes = [16, 2048], strides = [1, 1]} : vector<32x2048xf32> to vector<16x2048xf32>
      %slice3A_280 = vector.extract_strided_slice %min3A_278 {offsets = [16, 0], sizes = [16, 2048], strides = [1, 1]} : vector<32x2048xf32> to vector<16x2048xf32>
      %min3A_281 = arith.minimumf %slice3A_279, %slice3A_280 : vector<16x2048xf32>
      %slice3A_282 = vector.extract_strided_slice %min3A_281 {offsets = [0, 0], sizes = [8, 2048], strides = [1, 1]} : vector<16x2048xf32> to vector<8x2048xf32>
      %slice3A_283 = vector.extract_strided_slice %min3A_281 {offsets = [8, 0], sizes = [8, 2048], strides = [1, 1]} : vector<16x2048xf32> to vector<8x2048xf32>
      %min3A_284 = arith.minimumf %slice3A_282, %slice3A_283 : vector<8x2048xf32>
      %reduce_min3A_285 = arith.constant dense<0x7F800000> : vector<2048xf32>
      %reduce_min3A_286 = vector.multi_reduction <minimumf>, %min3A_284, %reduce_min3A_285 [0] : vector<8x2048xf32> to vector<2048xf32>
      %broadcast_in_dim3A_287 = vector.shape_cast %reduce_min3A_286 : vector<2048xf32> to vector<1x2048xf32>
      %eq3A_288 = vector.broadcast %broadcast_in_dim3A_287 : vector<1x2048xf32> to vector<512x2048xf32>
      %eq3A_289 = arith.cmpf oeq, %select_n3A_266, %eq3A_288 : vector<512x2048xf32>
      %jit3A_290 = arith.constant 3.000000e+38 : f32
      %broadcast_in_dim3A_291 = vector.broadcast %jit3A_290 : f32 to vector<512x2048xf32>
      %select_n3A_292 = arith.select %eq3A_289, %broadcast_in_dim3A_291, %select_n3A_266 : vector<512x2048xi1>, vector<512x2048xf32>
      %slice3A_293 = vector.extract_strided_slice %select_n3A_292 {offsets = [0, 0], sizes = [256, 2048], strides = [1, 1]} : vector<512x2048xf32> to vector<256x2048xf32>
      %slice3A_294 = vector.extract_strided_slice %select_n3A_292 {offsets = [256, 0], sizes = [256, 2048], strides = [1, 1]} : vector<512x2048xf32> to vector<256x2048xf32>
      %min3A_295 = arith.minimumf %slice3A_293, %slice3A_294 : vector<256x2048xf32>
      %slice3A_296 = vector.extract_strided_slice %min3A_295 {offsets = [0, 0], sizes = [128, 2048], strides = [1, 1]} : vector<256x2048xf32> to vector<128x2048xf32>
      %slice3A_297 = vector.extract_strided_slice %min3A_295 {offsets = [128, 0], sizes = [128, 2048], strides = [1, 1]} : vector<256x2048xf32> to vector<128x2048xf32>
      %min3A_298 = arith.minimumf %slice3A_296, %slice3A_297 : vector<128x2048xf32>
      %slice3A_299 = vector.extract_strided_slice %min3A_298 {offsets = [0, 0], sizes = [64, 2048], strides = [1, 1]} : vector<128x2048xf32> to vector<64x2048xf32>
      %slice3A_300 = vector.extract_strided_slice %min3A_298 {offsets = [64, 0], sizes = [64, 2048], strides = [1, 1]} : vector<128x2048xf32> to vector<64x2048xf32>
      %min3A_301 = arith.minimumf %slice3A_299, %slice3A_300 : vector<64x2048xf32>
      %slice3A_302 = vector.extract_strided_slice %min3A_301 {offsets = [0, 0], sizes = [32, 2048], strides = [1, 1]} : vector<64x2048xf32> to vector<32x2048xf32>
      %slice3A_303 = vector.extract_strided_slice %min3A_301 {offsets = [32, 0], sizes = [32, 2048], strides = [1, 1]} : vector<64x2048xf32> to vector<32x2048xf32>
      %min3A_304 = arith.minimumf %slice3A_302, %slice3A_303 : vector<32x2048xf32>
      %slice3A_305 = vector.extract_strided_slice %min3A_304 {offsets = [0, 0], sizes = [16, 2048], strides = [1, 1]} : vector<32x2048xf32> to vector<16x2048xf32>
      %slice3A_306 = vector.extract_strided_slice %min3A_304 {offsets = [16, 0], sizes = [16, 2048], strides = [1, 1]} : vector<32x2048xf32> to vector<16x2048xf32>
      %min3A_307 = arith.minimumf %slice3A_305, %slice3A_306 : vector<16x2048xf32>
      %slice3A_308 = vector.extract_strided_slice %min3A_307 {offsets = [0, 0], sizes = [8, 2048], strides = [1, 1]} : vector<16x2048xf32> to vector<8x2048xf32>
      %slice3A_309 = vector.extract_strided_slice %min3A_307 {offsets = [8, 0], sizes = [8, 2048], strides = [1, 1]} : vector<16x2048xf32> to vector<8x2048xf32>
      %min3A_310 = arith.minimumf %slice3A_308, %slice3A_309 : vector<8x2048xf32>
      %reduce_min3A_311 = arith.constant dense<0x7F800000> : vector<2048xf32>
      %reduce_min3A_312 = vector.multi_reduction <minimumf>, %min3A_310, %reduce_min3A_311 [0] : vector<8x2048xf32> to vector<2048xf32>
      %broadcast_in_dim3A_313 = vector.shape_cast %reduce_min3A_312 : vector<2048xf32> to vector<1x2048xf32>
      %eq3A_314 = vector.broadcast %broadcast_in_dim3A_313 : vector<1x2048xf32> to vector<512x2048xf32>
      %eq3A_315 = arith.cmpf oeq, %select_n3A_292, %eq3A_314 : vector<512x2048xf32>
      %jit3A_316 = arith.constant 3.000000e+38 : f32
      %broadcast_in_dim3A_317 = vector.broadcast %jit3A_316 : f32 to vector<512x2048xf32>
      %select_n3A_318 = arith.select %eq3A_315, %broadcast_in_dim3A_317, %select_n3A_292 : vector<512x2048xi1>, vector<512x2048xf32>
      %slice3A_319 = vector.extract_strided_slice %select_n3A_318 {offsets = [0, 0], sizes = [256, 2048], strides = [1, 1]} : vector<512x2048xf32> to vector<256x2048xf32>
      %slice3A_320 = vector.extract_strided_slice %select_n3A_318 {offsets = [256, 0], sizes = [256, 2048], strides = [1, 1]} : vector<512x2048xf32> to vector<256x2048xf32>
      %min3A_321 = arith.minimumf %slice3A_319, %slice3A_320 : vector<256x2048xf32>
      %slice3A_322 = vector.extract_strided_slice %min3A_321 {offsets = [0, 0], sizes = [128, 2048], strides = [1, 1]} : vector<256x2048xf32> to vector<128x2048xf32>
      %slice3A_323 = vector.extract_strided_slice %min3A_321 {offsets = [128, 0], sizes = [128, 2048], strides = [1, 1]} : vector<256x2048xf32> to vector<128x2048xf32>
      %min3A_324 = arith.minimumf %slice3A_322, %slice3A_323 : vector<128x2048xf32>
      %slice3A_325 = vector.extract_strided_slice %min3A_324 {offsets = [0, 0], sizes = [64, 2048], strides = [1, 1]} : vector<128x2048xf32> to vector<64x2048xf32>
      %slice3A_326 = vector.extract_strided_slice %min3A_324 {offsets = [64, 0], sizes = [64, 2048], strides = [1, 1]} : vector<128x2048xf32> to vector<64x2048xf32>
      %min3A_327 = arith.minimumf %slice3A_325, %slice3A_326 : vector<64x2048xf32>
      %slice3A_328 = vector.extract_strided_slice %min3A_327 {offsets = [0, 0], sizes = [32, 2048], strides = [1, 1]} : vector<64x2048xf32> to vector<32x2048xf32>
      %slice3A_329 = vector.extract_strided_slice %min3A_327 {offsets = [32, 0], sizes = [32, 2048], strides = [1, 1]} : vector<64x2048xf32> to vector<32x2048xf32>
      %min3A_330 = arith.minimumf %slice3A_328, %slice3A_329 : vector<32x2048xf32>
      %slice3A_331 = vector.extract_strided_slice %min3A_330 {offsets = [0, 0], sizes = [16, 2048], strides = [1, 1]} : vector<32x2048xf32> to vector<16x2048xf32>
      %slice3A_332 = vector.extract_strided_slice %min3A_330 {offsets = [16, 0], sizes = [16, 2048], strides = [1, 1]} : vector<32x2048xf32> to vector<16x2048xf32>
      %min3A_333 = arith.minimumf %slice3A_331, %slice3A_332 : vector<16x2048xf32>
      %slice3A_334 = vector.extract_strided_slice %min3A_333 {offsets = [0, 0], sizes = [8, 2048], strides = [1, 1]} : vector<16x2048xf32> to vector<8x2048xf32>
      %slice3A_335 = vector.extract_strided_slice %min3A_333 {offsets = [8, 0], sizes = [8, 2048], strides = [1, 1]} : vector<16x2048xf32> to vector<8x2048xf32>
      %min3A_336 = arith.minimumf %slice3A_334, %slice3A_335 : vector<8x2048xf32>
      %reduce_min3A_337 = arith.constant dense<0x7F800000> : vector<2048xf32>
      %reduce_min3A_338 = vector.multi_reduction <minimumf>, %min3A_336, %reduce_min3A_337 [0] : vector<8x2048xf32> to vector<2048xf32>
      %broadcast_in_dim3A_339 = vector.shape_cast %reduce_min3A_338 : vector<2048xf32> to vector<1x2048xf32>
      %eq3A_340 = vector.broadcast %broadcast_in_dim3A_339 : vector<1x2048xf32> to vector<512x2048xf32>
      %eq3A_341 = arith.cmpf oeq, %select_n3A_318, %eq3A_340 : vector<512x2048xf32>
      %jit3A_342 = arith.constant 3.000000e+38 : f32
      %broadcast_in_dim3A_343 = vector.broadcast %jit3A_342 : f32 to vector<512x2048xf32>
      %select_n3A_344 = arith.select %eq3A_341, %broadcast_in_dim3A_343, %select_n3A_318 : vector<512x2048xi1>, vector<512x2048xf32>
      %slice3A_345 = vector.extract_strided_slice %select_n3A_344 {offsets = [0, 0], sizes = [256, 2048], strides = [1, 1]} : vector<512x2048xf32> to vector<256x2048xf32>
      %slice3A_346 = vector.extract_strided_slice %select_n3A_344 {offsets = [256, 0], sizes = [256, 2048], strides = [1, 1]} : vector<512x2048xf32> to vector<256x2048xf32>
      %min3A_347 = arith.minimumf %slice3A_345, %slice3A_346 : vector<256x2048xf32>
      %slice3A_348 = vector.extract_strided_slice %min3A_347 {offsets = [0, 0], sizes = [128, 2048], strides = [1, 1]} : vector<256x2048xf32> to vector<128x2048xf32>
      %slice3A_349 = vector.extract_strided_slice %min3A_347 {offsets = [128, 0], sizes = [128, 2048], strides = [1, 1]} : vector<256x2048xf32> to vector<128x2048xf32>
      %min3A_350 = arith.minimumf %slice3A_348, %slice3A_349 : vector<128x2048xf32>
      %slice3A_351 = vector.extract_strided_slice %min3A_350 {offsets = [0, 0], sizes = [64, 2048], strides = [1, 1]} : vector<128x2048xf32> to vector<64x2048xf32>
      %slice3A_352 = vector.extract_strided_slice %min3A_350 {offsets = [64, 0], sizes = [64, 2048], strides = [1, 1]} : vector<128x2048xf32> to vector<64x2048xf32>
      %min3A_353 = arith.minimumf %slice3A_351, %slice3A_352 : vector<64x2048xf32>
      %slice3A_354 = vector.extract_strided_slice %min3A_353 {offsets = [0, 0], sizes = [32, 2048], strides = [1, 1]} : vector<64x2048xf32> to vector<32x2048xf32>
      %slice3A_355 = vector.extract_strided_slice %min3A_353 {offsets = [32, 0], sizes = [32, 2048], strides = [1, 1]} : vector<64x2048xf32> to vector<32x2048xf32>
      %min3A_356 = arith.minimumf %slice3A_354, %slice3A_355 : vector<32x2048xf32>
      %slice3A_357 = vector.extract_strided_slice %min3A_356 {offsets = [0, 0], sizes = [16, 2048], strides = [1, 1]} : vector<32x2048xf32> to vector<16x2048xf32>
      %slice3A_358 = vector.extract_strided_slice %min3A_356 {offsets = [16, 0], sizes = [16, 2048], strides = [1, 1]} : vector<32x2048xf32> to vector<16x2048xf32>
      %min3A_359 = arith.minimumf %slice3A_357, %slice3A_358 : vector<16x2048xf32>
      %slice3A_360 = vector.extract_strided_slice %min3A_359 {offsets = [0, 0], sizes = [8, 2048], strides = [1, 1]} : vector<16x2048xf32> to vector<8x2048xf32>
      %slice3A_361 = vector.extract_strided_slice %min3A_359 {offsets = [8, 0], sizes = [8, 2048], strides = [1, 1]} : vector<16x2048xf32> to vector<8x2048xf32>
      %min3A_362 = arith.minimumf %slice3A_360, %slice3A_361 : vector<8x2048xf32>
      %reduce_min3A_363 = arith.constant dense<0x7F800000> : vector<2048xf32>
      %reduce_min3A_364 = vector.multi_reduction <minimumf>, %min3A_362, %reduce_min3A_363 [0] : vector<8x2048xf32> to vector<2048xf32>
      %broadcast_in_dim3A_365 = vector.shape_cast %reduce_min3A_364 : vector<2048xf32> to vector<1x2048xf32>
      %eq3A_366 = vector.broadcast %broadcast_in_dim3A_365 : vector<1x2048xf32> to vector<512x2048xf32>
      %eq3A_367 = arith.cmpf oeq, %select_n3A_344, %eq3A_366 : vector<512x2048xf32>
      %jit3A_368 = arith.constant 3.000000e+38 : f32
      %broadcast_in_dim3A_369 = vector.broadcast %jit3A_368 : f32 to vector<512x2048xf32>
      %select_n3A_370 = arith.select %eq3A_367, %broadcast_in_dim3A_369, %select_n3A_344 : vector<512x2048xi1>, vector<512x2048xf32>
      %slice3A_371 = vector.extract_strided_slice %select_n3A_370 {offsets = [0, 0], sizes = [256, 2048], strides = [1, 1]} : vector<512x2048xf32> to vector<256x2048xf32>
      %slice3A_372 = vector.extract_strided_slice %select_n3A_370 {offsets = [256, 0], sizes = [256, 2048], strides = [1, 1]} : vector<512x2048xf32> to vector<256x2048xf32>
      %min3A_373 = arith.minimumf %slice3A_371, %slice3A_372 : vector<256x2048xf32>
      %slice3A_374 = vector.extract_strided_slice %min3A_373 {offsets = [0, 0], sizes = [128, 2048], strides = [1, 1]} : vector<256x2048xf32> to vector<128x2048xf32>
      %slice3A_375 = vector.extract_strided_slice %min3A_373 {offsets = [128, 0], sizes = [128, 2048], strides = [1, 1]} : vector<256x2048xf32> to vector<128x2048xf32>
      %min3A_376 = arith.minimumf %slice3A_374, %slice3A_375 : vector<128x2048xf32>
      %slice3A_377 = vector.extract_strided_slice %min3A_376 {offsets = [0, 0], sizes = [64, 2048], strides = [1, 1]} : vector<128x2048xf32> to vector<64x2048xf32>
      %slice3A_378 = vector.extract_strided_slice %min3A_376 {offsets = [64, 0], sizes = [64, 2048], strides = [1, 1]} : vector<128x2048xf32> to vector<64x2048xf32>
      %min3A_379 = arith.minimumf %slice3A_377, %slice3A_378 : vector<64x2048xf32>
      %slice3A_380 = vector.extract_strided_slice %min3A_379 {offsets = [0, 0], sizes = [32, 2048], strides = [1, 1]} : vector<64x2048xf32> to vector<32x2048xf32>
      %slice3A_381 = vector.extract_strided_slice %min3A_379 {offsets = [32, 0], sizes = [32, 2048], strides = [1, 1]} : vector<64x2048xf32> to vector<32x2048xf32>
      %min3A_382 = arith.minimumf %slice3A_380, %slice3A_381 : vector<32x2048xf32>
      %slice3A_383 = vector.extract_strided_slice %min3A_382 {offsets = [0, 0], sizes = [16, 2048], strides = [1, 1]} : vector<32x2048xf32> to vector<16x2048xf32>
      %slice3A_384 = vector.extract_strided_slice %min3A_382 {offsets = [16, 0], sizes = [16, 2048], strides = [1, 1]} : vector<32x2048xf32> to vector<16x2048xf32>
      %min3A_385 = arith.minimumf %slice3A_383, %slice3A_384 : vector<16x2048xf32>
      %slice3A_386 = vector.extract_strided_slice %min3A_385 {offsets = [0, 0], sizes = [8, 2048], strides = [1, 1]} : vector<16x2048xf32> to vector<8x2048xf32>
      %slice3A_387 = vector.extract_strided_slice %min3A_385 {offsets = [8, 0], sizes = [8, 2048], strides = [1, 1]} : vector<16x2048xf32> to vector<8x2048xf32>
      %min3A_388 = arith.minimumf %slice3A_386, %slice3A_387 : vector<8x2048xf32>
      %reduce_min3A_389 = arith.constant dense<0x7F800000> : vector<2048xf32>
      %reduce_min3A_390 = vector.multi_reduction <minimumf>, %min3A_388, %reduce_min3A_389 [0] : vector<8x2048xf32> to vector<2048xf32>
      %broadcast_in_dim3A_391 = vector.shape_cast %reduce_min3A_390 : vector<2048xf32> to vector<1x2048xf32>
      %eq3A_392 = vector.broadcast %broadcast_in_dim3A_391 : vector<1x2048xf32> to vector<512x2048xf32>
      %eq3A_393 = arith.cmpf oeq, %select_n3A_370, %eq3A_392 : vector<512x2048xf32>
      %jit3A_394 = arith.constant 3.000000e+38 : f32
      %broadcast_in_dim3A_395 = vector.broadcast %jit3A_394 : f32 to vector<512x2048xf32>
      %select_n3A_396 = arith.select %eq3A_393, %broadcast_in_dim3A_395, %select_n3A_370 : vector<512x2048xi1>, vector<512x2048xf32>
      %slice3A_397 = vector.extract_strided_slice %select_n3A_396 {offsets = [0, 0], sizes = [256, 2048], strides = [1, 1]} : vector<512x2048xf32> to vector<256x2048xf32>
      %slice3A_398 = vector.extract_strided_slice %select_n3A_396 {offsets = [256, 0], sizes = [256, 2048], strides = [1, 1]} : vector<512x2048xf32> to vector<256x2048xf32>
      %min3A_399 = arith.minimumf %slice3A_397, %slice3A_398 : vector<256x2048xf32>
      %slice3A_400 = vector.extract_strided_slice %min3A_399 {offsets = [0, 0], sizes = [128, 2048], strides = [1, 1]} : vector<256x2048xf32> to vector<128x2048xf32>
      %slice3A_401 = vector.extract_strided_slice %min3A_399 {offsets = [128, 0], sizes = [128, 2048], strides = [1, 1]} : vector<256x2048xf32> to vector<128x2048xf32>
      %min3A_402 = arith.minimumf %slice3A_400, %slice3A_401 : vector<128x2048xf32>
      %slice3A_403 = vector.extract_strided_slice %min3A_402 {offsets = [0, 0], sizes = [64, 2048], strides = [1, 1]} : vector<128x2048xf32> to vector<64x2048xf32>
      %slice3A_404 = vector.extract_strided_slice %min3A_402 {offsets = [64, 0], sizes = [64, 2048], strides = [1, 1]} : vector<128x2048xf32> to vector<64x2048xf32>
      %min3A_405 = arith.minimumf %slice3A_403, %slice3A_404 : vector<64x2048xf32>
      %slice3A_406 = vector.extract_strided_slice %min3A_405 {offsets = [0, 0], sizes = [32, 2048], strides = [1, 1]} : vector<64x2048xf32> to vector<32x2048xf32>
      %slice3A_407 = vector.extract_strided_slice %min3A_405 {offsets = [32, 0], sizes = [32, 2048], strides = [1, 1]} : vector<64x2048xf32> to vector<32x2048xf32>
      %min3A_408 = arith.minimumf %slice3A_406, %slice3A_407 : vector<32x2048xf32>
      %slice3A_409 = vector.extract_strided_slice %min3A_408 {offsets = [0, 0], sizes = [16, 2048], strides = [1, 1]} : vector<32x2048xf32> to vector<16x2048xf32>
      %slice3A_410 = vector.extract_strided_slice %min3A_408 {offsets = [16, 0], sizes = [16, 2048], strides = [1, 1]} : vector<32x2048xf32> to vector<16x2048xf32>
      %min3A_411 = arith.minimumf %slice3A_409, %slice3A_410 : vector<16x2048xf32>
      %slice3A_412 = vector.extract_strided_slice %min3A_411 {offsets = [0, 0], sizes = [8, 2048], strides = [1, 1]} : vector<16x2048xf32> to vector<8x2048xf32>
      %slice3A_413 = vector.extract_strided_slice %min3A_411 {offsets = [8, 0], sizes = [8, 2048], strides = [1, 1]} : vector<16x2048xf32> to vector<8x2048xf32>
      %min3A_414 = arith.minimumf %slice3A_412, %slice3A_413 : vector<8x2048xf32>
      %reduce_min3A_415 = arith.constant dense<0x7F800000> : vector<2048xf32>
      %reduce_min3A_416 = vector.multi_reduction <minimumf>, %min3A_414, %reduce_min3A_415 [0] : vector<8x2048xf32> to vector<2048xf32>
      %broadcast_in_dim3A_417 = vector.shape_cast %reduce_min3A_416 : vector<2048xf32> to vector<1x2048xf32>
      %eq3A_418 = vector.broadcast %broadcast_in_dim3A_417 : vector<1x2048xf32> to vector<512x2048xf32>
      %eq3A_419 = arith.cmpf oeq, %select_n3A_396, %eq3A_418 : vector<512x2048xf32>
      %jit3A_420 = arith.constant 3.000000e+38 : f32
      %broadcast_in_dim3A_421 = vector.broadcast %jit3A_420 : f32 to vector<512x2048xf32>
      %select_n3A_422 = arith.select %eq3A_419, %broadcast_in_dim3A_421, %select_n3A_396 : vector<512x2048xi1>, vector<512x2048xf32>
      %slice3A_423 = vector.extract_strided_slice %select_n3A_422 {offsets = [0, 0], sizes = [256, 2048], strides = [1, 1]} : vector<512x2048xf32> to vector<256x2048xf32>
      %slice3A_424 = vector.extract_strided_slice %select_n3A_422 {offsets = [256, 0], sizes = [256, 2048], strides = [1, 1]} : vector<512x2048xf32> to vector<256x2048xf32>
      %min3A_425 = arith.minimumf %slice3A_423, %slice3A_424 : vector<256x2048xf32>
      %slice3A_426 = vector.extract_strided_slice %min3A_425 {offsets = [0, 0], sizes = [128, 2048], strides = [1, 1]} : vector<256x2048xf32> to vector<128x2048xf32>
      %slice3A_427 = vector.extract_strided_slice %min3A_425 {offsets = [128, 0], sizes = [128, 2048], strides = [1, 1]} : vector<256x2048xf32> to vector<128x2048xf32>
      %min3A_428 = arith.minimumf %slice3A_426, %slice3A_427 : vector<128x2048xf32>
      %slice3A_429 = vector.extract_strided_slice %min3A_428 {offsets = [0, 0], sizes = [64, 2048], strides = [1, 1]} : vector<128x2048xf32> to vector<64x2048xf32>
      %slice3A_430 = vector.extract_strided_slice %min3A_428 {offsets = [64, 0], sizes = [64, 2048], strides = [1, 1]} : vector<128x2048xf32> to vector<64x2048xf32>
      %min3A_431 = arith.minimumf %slice3A_429, %slice3A_430 : vector<64x2048xf32>
      %slice3A_432 = vector.extract_strided_slice %min3A_431 {offsets = [0, 0], sizes = [32, 2048], strides = [1, 1]} : vector<64x2048xf32> to vector<32x2048xf32>
      %slice3A_433 = vector.extract_strided_slice %min3A_431 {offsets = [32, 0], sizes = [32, 2048], strides = [1, 1]} : vector<64x2048xf32> to vector<32x2048xf32>
      %min3A_434 = arith.minimumf %slice3A_432, %slice3A_433 : vector<32x2048xf32>
      %slice3A_435 = vector.extract_strided_slice %min3A_434 {offsets = [0, 0], sizes = [16, 2048], strides = [1, 1]} : vector<32x2048xf32> to vector<16x2048xf32>
      %slice3A_436 = vector.extract_strided_slice %min3A_434 {offsets = [16, 0], sizes = [16, 2048], strides = [1, 1]} : vector<32x2048xf32> to vector<16x2048xf32>
      %min3A_437 = arith.minimumf %slice3A_435, %slice3A_436 : vector<16x2048xf32>
      %slice3A_438 = vector.extract_strided_slice %min3A_437 {offsets = [0, 0], sizes = [8, 2048], strides = [1, 1]} : vector<16x2048xf32> to vector<8x2048xf32>
      %slice3A_439 = vector.extract_strided_slice %min3A_437 {offsets = [8, 0], sizes = [8, 2048], strides = [1, 1]} : vector<16x2048xf32> to vector<8x2048xf32>
      %min3A_440 = arith.minimumf %slice3A_438, %slice3A_439 : vector<8x2048xf32>
      %reduce_min3A_441 = arith.constant dense<0x7F800000> : vector<2048xf32>
      %reduce_min3A_442 = vector.multi_reduction <minimumf>, %min3A_440, %reduce_min3A_441 [0] : vector<8x2048xf32> to vector<2048xf32>
      %broadcast_in_dim3A_443 = vector.shape_cast %reduce_min3A_442 : vector<2048xf32> to vector<1x2048xf32>
      %eq3A_444 = vector.broadcast %broadcast_in_dim3A_443 : vector<1x2048xf32> to vector<512x2048xf32>
      %eq3A_445 = arith.cmpf oeq, %select_n3A_422, %eq3A_444 : vector<512x2048xf32>
      %jit3A_446 = arith.constant 3.000000e+38 : f32
      %broadcast_in_dim3A_447 = vector.broadcast %jit3A_446 : f32 to vector<512x2048xf32>
      %select_n3A_448 = arith.select %eq3A_445, %broadcast_in_dim3A_447, %select_n3A_422 : vector<512x2048xi1>, vector<512x2048xf32>
      %slice3A_449 = vector.extract_strided_slice %select_n3A_448 {offsets = [0, 0], sizes = [256, 2048], strides = [1, 1]} : vector<512x2048xf32> to vector<256x2048xf32>
      %slice3A_450 = vector.extract_strided_slice %select_n3A_448 {offsets = [256, 0], sizes = [256, 2048], strides = [1, 1]} : vector<512x2048xf32> to vector<256x2048xf32>
      %min3A_451 = arith.minimumf %slice3A_449, %slice3A_450 : vector<256x2048xf32>
      %slice3A_452 = vector.extract_strided_slice %min3A_451 {offsets = [0, 0], sizes = [128, 2048], strides = [1, 1]} : vector<256x2048xf32> to vector<128x2048xf32>
      %slice3A_453 = vector.extract_strided_slice %min3A_451 {offsets = [128, 0], sizes = [128, 2048], strides = [1, 1]} : vector<256x2048xf32> to vector<128x2048xf32>
      %min3A_454 = arith.minimumf %slice3A_452, %slice3A_453 : vector<128x2048xf32>
      %slice3A_455 = vector.extract_strided_slice %min3A_454 {offsets = [0, 0], sizes = [64, 2048], strides = [1, 1]} : vector<128x2048xf32> to vector<64x2048xf32>
      %slice3A_456 = vector.extract_strided_slice %min3A_454 {offsets = [64, 0], sizes = [64, 2048], strides = [1, 1]} : vector<128x2048xf32> to vector<64x2048xf32>
      %min3A_457 = arith.minimumf %slice3A_455, %slice3A_456 : vector<64x2048xf32>
      %slice3A_458 = vector.extract_strided_slice %min3A_457 {offsets = [0, 0], sizes = [32, 2048], strides = [1, 1]} : vector<64x2048xf32> to vector<32x2048xf32>
      %slice3A_459 = vector.extract_strided_slice %min3A_457 {offsets = [32, 0], sizes = [32, 2048], strides = [1, 1]} : vector<64x2048xf32> to vector<32x2048xf32>
      %min3A_460 = arith.minimumf %slice3A_458, %slice3A_459 : vector<32x2048xf32>
      %slice3A_461 = vector.extract_strided_slice %min3A_460 {offsets = [0, 0], sizes = [16, 2048], strides = [1, 1]} : vector<32x2048xf32> to vector<16x2048xf32>
      %slice3A_462 = vector.extract_strided_slice %min3A_460 {offsets = [16, 0], sizes = [16, 2048], strides = [1, 1]} : vector<32x2048xf32> to vector<16x2048xf32>
      %min3A_463 = arith.minimumf %slice3A_461, %slice3A_462 : vector<16x2048xf32>
      %slice3A_464 = vector.extract_strided_slice %min3A_463 {offsets = [0, 0], sizes = [8, 2048], strides = [1, 1]} : vector<16x2048xf32> to vector<8x2048xf32>
      %slice3A_465 = vector.extract_strided_slice %min3A_463 {offsets = [8, 0], sizes = [8, 2048], strides = [1, 1]} : vector<16x2048xf32> to vector<8x2048xf32>
      %min3A_466 = arith.minimumf %slice3A_464, %slice3A_465 : vector<8x2048xf32>
      %reduce_min3A_467 = arith.constant dense<0x7F800000> : vector<2048xf32>
      %reduce_min3A_468 = vector.multi_reduction <minimumf>, %min3A_466, %reduce_min3A_467 [0] : vector<8x2048xf32> to vector<2048xf32>
      %broadcast_in_dim3A_469 = vector.shape_cast %reduce_min3A_468 : vector<2048xf32> to vector<1x2048xf32>
      %eq3A_470 = vector.broadcast %broadcast_in_dim3A_469 : vector<1x2048xf32> to vector<512x2048xf32>
      %eq3A_471 = arith.cmpf oeq, %select_n3A_448, %eq3A_470 : vector<512x2048xf32>
      %jit3A_472 = arith.constant 3.000000e+38 : f32
      %broadcast_in_dim3A_473 = vector.broadcast %jit3A_472 : f32 to vector<512x2048xf32>
      %select_n3A_474 = arith.select %eq3A_471, %broadcast_in_dim3A_473, %select_n3A_448 : vector<512x2048xi1>, vector<512x2048xf32>
      %slice3A_475 = vector.extract_strided_slice %select_n3A_474 {offsets = [0, 0], sizes = [256, 2048], strides = [1, 1]} : vector<512x2048xf32> to vector<256x2048xf32>
      %slice3A_476 = vector.extract_strided_slice %select_n3A_474 {offsets = [256, 0], sizes = [256, 2048], strides = [1, 1]} : vector<512x2048xf32> to vector<256x2048xf32>
      %min3A_477 = arith.minimumf %slice3A_475, %slice3A_476 : vector<256x2048xf32>
      %slice3A_478 = vector.extract_strided_slice %min3A_477 {offsets = [0, 0], sizes = [128, 2048], strides = [1, 1]} : vector<256x2048xf32> to vector<128x2048xf32>
      %slice3A_479 = vector.extract_strided_slice %min3A_477 {offsets = [128, 0], sizes = [128, 2048], strides = [1, 1]} : vector<256x2048xf32> to vector<128x2048xf32>
      %min3A_480 = arith.minimumf %slice3A_478, %slice3A_479 : vector<128x2048xf32>
      %slice3A_481 = vector.extract_strided_slice %min3A_480 {offsets = [0, 0], sizes = [64, 2048], strides = [1, 1]} : vector<128x2048xf32> to vector<64x2048xf32>
      %slice3A_482 = vector.extract_strided_slice %min3A_480 {offsets = [64, 0], sizes = [64, 2048], strides = [1, 1]} : vector<128x2048xf32> to vector<64x2048xf32>
      %min3A_483 = arith.minimumf %slice3A_481, %slice3A_482 : vector<64x2048xf32>
      %slice3A_484 = vector.extract_strided_slice %min3A_483 {offsets = [0, 0], sizes = [32, 2048], strides = [1, 1]} : vector<64x2048xf32> to vector<32x2048xf32>
      %slice3A_485 = vector.extract_strided_slice %min3A_483 {offsets = [32, 0], sizes = [32, 2048], strides = [1, 1]} : vector<64x2048xf32> to vector<32x2048xf32>
      %min3A_486 = arith.minimumf %slice3A_484, %slice3A_485 : vector<32x2048xf32>
      %slice3A_487 = vector.extract_strided_slice %min3A_486 {offsets = [0, 0], sizes = [16, 2048], strides = [1, 1]} : vector<32x2048xf32> to vector<16x2048xf32>
      %slice3A_488 = vector.extract_strided_slice %min3A_486 {offsets = [16, 0], sizes = [16, 2048], strides = [1, 1]} : vector<32x2048xf32> to vector<16x2048xf32>
      %min3A_489 = arith.minimumf %slice3A_487, %slice3A_488 : vector<16x2048xf32>
      %slice3A_490 = vector.extract_strided_slice %min3A_489 {offsets = [0, 0], sizes = [8, 2048], strides = [1, 1]} : vector<16x2048xf32> to vector<8x2048xf32>
      %slice3A_491 = vector.extract_strided_slice %min3A_489 {offsets = [8, 0], sizes = [8, 2048], strides = [1, 1]} : vector<16x2048xf32> to vector<8x2048xf32>
      %min3A_492 = arith.minimumf %slice3A_490, %slice3A_491 : vector<8x2048xf32>
      %reduce_min3A_493 = arith.constant dense<0x7F800000> : vector<2048xf32>
      %reduce_min3A_494 = vector.multi_reduction <minimumf>, %min3A_492, %reduce_min3A_493 [0] : vector<8x2048xf32> to vector<2048xf32>
      %broadcast_in_dim3A_495 = vector.shape_cast %reduce_min3A_494 : vector<2048xf32> to vector<1x2048xf32>
      %eq3A_496 = vector.broadcast %broadcast_in_dim3A_495 : vector<1x2048xf32> to vector<512x2048xf32>
      %eq3A_497 = arith.cmpf oeq, %select_n3A_474, %eq3A_496 : vector<512x2048xf32>
      %jit3A_498 = arith.constant 3.000000e+38 : f32
      %broadcast_in_dim3A_499 = vector.broadcast %jit3A_498 : f32 to vector<512x2048xf32>
      %select_n3A_500 = arith.select %eq3A_497, %broadcast_in_dim3A_499, %select_n3A_474 : vector<512x2048xi1>, vector<512x2048xf32>
      %slice3A_501 = vector.extract_strided_slice %select_n3A_500 {offsets = [0, 0], sizes = [256, 2048], strides = [1, 1]} : vector<512x2048xf32> to vector<256x2048xf32>
      %slice3A_502 = vector.extract_strided_slice %select_n3A_500 {offsets = [256, 0], sizes = [256, 2048], strides = [1, 1]} : vector<512x2048xf32> to vector<256x2048xf32>
      %min3A_503 = arith.minimumf %slice3A_501, %slice3A_502 : vector<256x2048xf32>
      %slice3A_504 = vector.extract_strided_slice %min3A_503 {offsets = [0, 0], sizes = [128, 2048], strides = [1, 1]} : vector<256x2048xf32> to vector<128x2048xf32>
      %slice3A_505 = vector.extract_strided_slice %min3A_503 {offsets = [128, 0], sizes = [128, 2048], strides = [1, 1]} : vector<256x2048xf32> to vector<128x2048xf32>
      %min3A_506 = arith.minimumf %slice3A_504, %slice3A_505 : vector<128x2048xf32>
      %slice3A_507 = vector.extract_strided_slice %min3A_506 {offsets = [0, 0], sizes = [64, 2048], strides = [1, 1]} : vector<128x2048xf32> to vector<64x2048xf32>
      %slice3A_508 = vector.extract_strided_slice %min3A_506 {offsets = [64, 0], sizes = [64, 2048], strides = [1, 1]} : vector<128x2048xf32> to vector<64x2048xf32>
      %min3A_509 = arith.minimumf %slice3A_507, %slice3A_508 : vector<64x2048xf32>
      %slice3A_510 = vector.extract_strided_slice %min3A_509 {offsets = [0, 0], sizes = [32, 2048], strides = [1, 1]} : vector<64x2048xf32> to vector<32x2048xf32>
      %slice3A_511 = vector.extract_strided_slice %min3A_509 {offsets = [32, 0], sizes = [32, 2048], strides = [1, 1]} : vector<64x2048xf32> to vector<32x2048xf32>
      %min3A_512 = arith.minimumf %slice3A_510, %slice3A_511 : vector<32x2048xf32>
      %slice3A_513 = vector.extract_strided_slice %min3A_512 {offsets = [0, 0], sizes = [16, 2048], strides = [1, 1]} : vector<32x2048xf32> to vector<16x2048xf32>
      %slice3A_514 = vector.extract_strided_slice %min3A_512 {offsets = [16, 0], sizes = [16, 2048], strides = [1, 1]} : vector<32x2048xf32> to vector<16x2048xf32>
      %min3A_515 = arith.minimumf %slice3A_513, %slice3A_514 : vector<16x2048xf32>
      %slice3A_516 = vector.extract_strided_slice %min3A_515 {offsets = [0, 0], sizes = [8, 2048], strides = [1, 1]} : vector<16x2048xf32> to vector<8x2048xf32>
      %slice3A_517 = vector.extract_strided_slice %min3A_515 {offsets = [8, 0], sizes = [8, 2048], strides = [1, 1]} : vector<16x2048xf32> to vector<8x2048xf32>
      %min3A_518 = arith.minimumf %slice3A_516, %slice3A_517 : vector<8x2048xf32>
      %reduce_min3A_519 = arith.constant dense<0x7F800000> : vector<2048xf32>
      %reduce_min3A_520 = vector.multi_reduction <minimumf>, %min3A_518, %reduce_min3A_519 [0] : vector<8x2048xf32> to vector<2048xf32>
      %broadcast_in_dim3A_521 = vector.shape_cast %reduce_min3A_520 : vector<2048xf32> to vector<1x2048xf32>
      %eq3A_522 = vector.broadcast %broadcast_in_dim3A_521 : vector<1x2048xf32> to vector<512x2048xf32>
      %eq3A_523 = arith.cmpf oeq, %select_n3A_500, %eq3A_522 : vector<512x2048xf32>
      %jit3A_524 = arith.constant 3.000000e+38 : f32
      %broadcast_in_dim3A_525 = vector.broadcast %jit3A_524 : f32 to vector<512x2048xf32>
      %select_n3A_526 = arith.select %eq3A_523, %broadcast_in_dim3A_525, %select_n3A_500 : vector<512x2048xi1>, vector<512x2048xf32>
      %slice3A_527 = vector.extract_strided_slice %select_n3A_526 {offsets = [0, 0], sizes = [256, 2048], strides = [1, 1]} : vector<512x2048xf32> to vector<256x2048xf32>
      %slice3A_528 = vector.extract_strided_slice %select_n3A_526 {offsets = [256, 0], sizes = [256, 2048], strides = [1, 1]} : vector<512x2048xf32> to vector<256x2048xf32>
      %min3A_529 = arith.minimumf %slice3A_527, %slice3A_528 : vector<256x2048xf32>
      %slice3A_530 = vector.extract_strided_slice %min3A_529 {offsets = [0, 0], sizes = [128, 2048], strides = [1, 1]} : vector<256x2048xf32> to vector<128x2048xf32>
      %slice3A_531 = vector.extract_strided_slice %min3A_529 {offsets = [128, 0], sizes = [128, 2048], strides = [1, 1]} : vector<256x2048xf32> to vector<128x2048xf32>
      %min3A_532 = arith.minimumf %slice3A_530, %slice3A_531 : vector<128x2048xf32>
      %slice3A_533 = vector.extract_strided_slice %min3A_532 {offsets = [0, 0], sizes = [64, 2048], strides = [1, 1]} : vector<128x2048xf32> to vector<64x2048xf32>
      %slice3A_534 = vector.extract_strided_slice %min3A_532 {offsets = [64, 0], sizes = [64, 2048], strides = [1, 1]} : vector<128x2048xf32> to vector<64x2048xf32>
      %min3A_535 = arith.minimumf %slice3A_533, %slice3A_534 : vector<64x2048xf32>
      %slice3A_536 = vector.extract_strided_slice %min3A_535 {offsets = [0, 0], sizes = [32, 2048], strides = [1, 1]} : vector<64x2048xf32> to vector<32x2048xf32>
      %slice3A_537 = vector.extract_strided_slice %min3A_535 {offsets = [32, 0], sizes = [32, 2048], strides = [1, 1]} : vector<64x2048xf32> to vector<32x2048xf32>
      %min3A_538 = arith.minimumf %slice3A_536, %slice3A_537 : vector<32x2048xf32>
      %slice3A_539 = vector.extract_strided_slice %min3A_538 {offsets = [0, 0], sizes = [16, 2048], strides = [1, 1]} : vector<32x2048xf32> to vector<16x2048xf32>
      %slice3A_540 = vector.extract_strided_slice %min3A_538 {offsets = [16, 0], sizes = [16, 2048], strides = [1, 1]} : vector<32x2048xf32> to vector<16x2048xf32>
      %min3A_541 = arith.minimumf %slice3A_539, %slice3A_540 : vector<16x2048xf32>
      %slice3A_542 = vector.extract_strided_slice %min3A_541 {offsets = [0, 0], sizes = [8, 2048], strides = [1, 1]} : vector<16x2048xf32> to vector<8x2048xf32>
      %slice3A_543 = vector.extract_strided_slice %min3A_541 {offsets = [8, 0], sizes = [8, 2048], strides = [1, 1]} : vector<16x2048xf32> to vector<8x2048xf32>
      %min3A_544 = arith.minimumf %slice3A_542, %slice3A_543 : vector<8x2048xf32>
      %reduce_min3A_545 = arith.constant dense<0x7F800000> : vector<2048xf32>
      %reduce_min3A_546 = vector.multi_reduction <minimumf>, %min3A_544, %reduce_min3A_545 [0] : vector<8x2048xf32> to vector<2048xf32>
      %broadcast_in_dim3A_547 = vector.shape_cast %reduce_min3A_546 : vector<2048xf32> to vector<1x2048xf32>
      %eq3A_548 = vector.broadcast %broadcast_in_dim3A_547 : vector<1x2048xf32> to vector<512x2048xf32>
      %eq3A_549 = arith.cmpf oeq, %select_n3A_526, %eq3A_548 : vector<512x2048xf32>
      %jit3A_550 = arith.constant 3.000000e+38 : f32
      %broadcast_in_dim3A_551 = vector.broadcast %jit3A_550 : f32 to vector<512x2048xf32>
      %select_n3A_552 = arith.select %eq3A_549, %broadcast_in_dim3A_551, %select_n3A_526 : vector<512x2048xi1>, vector<512x2048xf32>
      %slice3A_553 = vector.extract_strided_slice %select_n3A_552 {offsets = [0, 0], sizes = [256, 2048], strides = [1, 1]} : vector<512x2048xf32> to vector<256x2048xf32>
      %slice3A_554 = vector.extract_strided_slice %select_n3A_552 {offsets = [256, 0], sizes = [256, 2048], strides = [1, 1]} : vector<512x2048xf32> to vector<256x2048xf32>
      %min3A_555 = arith.minimumf %slice3A_553, %slice3A_554 : vector<256x2048xf32>
      %slice3A_556 = vector.extract_strided_slice %min3A_555 {offsets = [0, 0], sizes = [128, 2048], strides = [1, 1]} : vector<256x2048xf32> to vector<128x2048xf32>
      %slice3A_557 = vector.extract_strided_slice %min3A_555 {offsets = [128, 0], sizes = [128, 2048], strides = [1, 1]} : vector<256x2048xf32> to vector<128x2048xf32>
      %min3A_558 = arith.minimumf %slice3A_556, %slice3A_557 : vector<128x2048xf32>
      %slice3A_559 = vector.extract_strided_slice %min3A_558 {offsets = [0, 0], sizes = [64, 2048], strides = [1, 1]} : vector<128x2048xf32> to vector<64x2048xf32>
      %slice3A_560 = vector.extract_strided_slice %min3A_558 {offsets = [64, 0], sizes = [64, 2048], strides = [1, 1]} : vector<128x2048xf32> to vector<64x2048xf32>
      %min3A_561 = arith.minimumf %slice3A_559, %slice3A_560 : vector<64x2048xf32>
      %slice3A_562 = vector.extract_strided_slice %min3A_561 {offsets = [0, 0], sizes = [32, 2048], strides = [1, 1]} : vector<64x2048xf32> to vector<32x2048xf32>
      %slice3A_563 = vector.extract_strided_slice %min3A_561 {offsets = [32, 0], sizes = [32, 2048], strides = [1, 1]} : vector<64x2048xf32> to vector<32x2048xf32>
      %min3A_564 = arith.minimumf %slice3A_562, %slice3A_563 : vector<32x2048xf32>
      %slice3A_565 = vector.extract_strided_slice %min3A_564 {offsets = [0, 0], sizes = [16, 2048], strides = [1, 1]} : vector<32x2048xf32> to vector<16x2048xf32>
      %slice3A_566 = vector.extract_strided_slice %min3A_564 {offsets = [16, 0], sizes = [16, 2048], strides = [1, 1]} : vector<32x2048xf32> to vector<16x2048xf32>
      %min3A_567 = arith.minimumf %slice3A_565, %slice3A_566 : vector<16x2048xf32>
      %slice3A_568 = vector.extract_strided_slice %min3A_567 {offsets = [0, 0], sizes = [8, 2048], strides = [1, 1]} : vector<16x2048xf32> to vector<8x2048xf32>
      %slice3A_569 = vector.extract_strided_slice %min3A_567 {offsets = [8, 0], sizes = [8, 2048], strides = [1, 1]} : vector<16x2048xf32> to vector<8x2048xf32>
      %min3A_570 = arith.minimumf %slice3A_568, %slice3A_569 : vector<8x2048xf32>
      %reduce_min3A_571 = arith.constant dense<0x7F800000> : vector<2048xf32>
      %reduce_min3A_572 = vector.multi_reduction <minimumf>, %min3A_570, %reduce_min3A_571 [0] : vector<8x2048xf32> to vector<2048xf32>
      %broadcast_in_dim3A_573 = vector.shape_cast %reduce_min3A_572 : vector<2048xf32> to vector<1x2048xf32>
      %eq3A_574 = vector.broadcast %broadcast_in_dim3A_573 : vector<1x2048xf32> to vector<512x2048xf32>
      %eq3A_575 = arith.cmpf oeq, %select_n3A_552, %eq3A_574 : vector<512x2048xf32>
      %jit3A_576 = arith.constant 3.000000e+38 : f32
      %broadcast_in_dim3A_577 = vector.broadcast %jit3A_576 : f32 to vector<512x2048xf32>
      %select_n3A_578 = arith.select %eq3A_575, %broadcast_in_dim3A_577, %select_n3A_552 : vector<512x2048xi1>, vector<512x2048xf32>
      %slice3A_579 = vector.extract_strided_slice %select_n3A_578 {offsets = [0, 0], sizes = [256, 2048], strides = [1, 1]} : vector<512x2048xf32> to vector<256x2048xf32>
      %slice3A_580 = vector.extract_strided_slice %select_n3A_578 {offsets = [256, 0], sizes = [256, 2048], strides = [1, 1]} : vector<512x2048xf32> to vector<256x2048xf32>
      %min3A_581 = arith.minimumf %slice3A_579, %slice3A_580 : vector<256x2048xf32>
      %slice3A_582 = vector.extract_strided_slice %min3A_581 {offsets = [0, 0], sizes = [128, 2048], strides = [1, 1]} : vector<256x2048xf32> to vector<128x2048xf32>
      %slice3A_583 = vector.extract_strided_slice %min3A_581 {offsets = [128, 0], sizes = [128, 2048], strides = [1, 1]} : vector<256x2048xf32> to vector<128x2048xf32>
      %min3A_584 = arith.minimumf %slice3A_582, %slice3A_583 : vector<128x2048xf32>
      %slice3A_585 = vector.extract_strided_slice %min3A_584 {offsets = [0, 0], sizes = [64, 2048], strides = [1, 1]} : vector<128x2048xf32> to vector<64x2048xf32>
      %slice3A_586 = vector.extract_strided_slice %min3A_584 {offsets = [64, 0], sizes = [64, 2048], strides = [1, 1]} : vector<128x2048xf32> to vector<64x2048xf32>
      %min3A_587 = arith.minimumf %slice3A_585, %slice3A_586 : vector<64x2048xf32>
      %slice3A_588 = vector.extract_strided_slice %min3A_587 {offsets = [0, 0], sizes = [32, 2048], strides = [1, 1]} : vector<64x2048xf32> to vector<32x2048xf32>
      %slice3A_589 = vector.extract_strided_slice %min3A_587 {offsets = [32, 0], sizes = [32, 2048], strides = [1, 1]} : vector<64x2048xf32> to vector<32x2048xf32>
      %min3A_590 = arith.minimumf %slice3A_588, %slice3A_589 : vector<32x2048xf32>
      %slice3A_591 = vector.extract_strided_slice %min3A_590 {offsets = [0, 0], sizes = [16, 2048], strides = [1, 1]} : vector<32x2048xf32> to vector<16x2048xf32>
      %slice3A_592 = vector.extract_strided_slice %min3A_590 {offsets = [16, 0], sizes = [16, 2048], strides = [1, 1]} : vector<32x2048xf32> to vector<16x2048xf32>
      %min3A_593 = arith.minimumf %slice3A_591, %slice3A_592 : vector<16x2048xf32>
      %slice3A_594 = vector.extract_strided_slice %min3A_593 {offsets = [0, 0], sizes = [8, 2048], strides = [1, 1]} : vector<16x2048xf32> to vector<8x2048xf32>
      %slice3A_595 = vector.extract_strided_slice %min3A_593 {offsets = [8, 0], sizes = [8, 2048], strides = [1, 1]} : vector<16x2048xf32> to vector<8x2048xf32>
      %min3A_596 = arith.minimumf %slice3A_594, %slice3A_595 : vector<8x2048xf32>
      %reduce_min3A_597 = arith.constant dense<0x7F800000> : vector<2048xf32>
      %reduce_min3A_598 = vector.multi_reduction <minimumf>, %min3A_596, %reduce_min3A_597 [0] : vector<8x2048xf32> to vector<2048xf32>
      %broadcast_in_dim3A_599 = vector.shape_cast %reduce_min3A_598 : vector<2048xf32> to vector<1x2048xf32>
      %eq3A_600 = vector.broadcast %broadcast_in_dim3A_599 : vector<1x2048xf32> to vector<512x2048xf32>
      %eq3A_601 = arith.cmpf oeq, %select_n3A_578, %eq3A_600 : vector<512x2048xf32>
      %jit3A_602 = arith.constant 3.000000e+38 : f32
      %broadcast_in_dim3A_603 = vector.broadcast %jit3A_602 : f32 to vector<512x2048xf32>
      %select_n3A_604 = arith.select %eq3A_601, %broadcast_in_dim3A_603, %select_n3A_578 : vector<512x2048xi1>, vector<512x2048xf32>
      %slice3A_605 = vector.extract_strided_slice %select_n3A_604 {offsets = [0, 0], sizes = [256, 2048], strides = [1, 1]} : vector<512x2048xf32> to vector<256x2048xf32>
      %slice3A_606 = vector.extract_strided_slice %select_n3A_604 {offsets = [256, 0], sizes = [256, 2048], strides = [1, 1]} : vector<512x2048xf32> to vector<256x2048xf32>
      %min3A_607 = arith.minimumf %slice3A_605, %slice3A_606 : vector<256x2048xf32>
      %slice3A_608 = vector.extract_strided_slice %min3A_607 {offsets = [0, 0], sizes = [128, 2048], strides = [1, 1]} : vector<256x2048xf32> to vector<128x2048xf32>
      %slice3A_609 = vector.extract_strided_slice %min3A_607 {offsets = [128, 0], sizes = [128, 2048], strides = [1, 1]} : vector<256x2048xf32> to vector<128x2048xf32>
      %min3A_610 = arith.minimumf %slice3A_608, %slice3A_609 : vector<128x2048xf32>
      %slice3A_611 = vector.extract_strided_slice %min3A_610 {offsets = [0, 0], sizes = [64, 2048], strides = [1, 1]} : vector<128x2048xf32> to vector<64x2048xf32>
      %slice3A_612 = vector.extract_strided_slice %min3A_610 {offsets = [64, 0], sizes = [64, 2048], strides = [1, 1]} : vector<128x2048xf32> to vector<64x2048xf32>
      %min3A_613 = arith.minimumf %slice3A_611, %slice3A_612 : vector<64x2048xf32>
      %slice3A_614 = vector.extract_strided_slice %min3A_613 {offsets = [0, 0], sizes = [32, 2048], strides = [1, 1]} : vector<64x2048xf32> to vector<32x2048xf32>
      %slice3A_615 = vector.extract_strided_slice %min3A_613 {offsets = [32, 0], sizes = [32, 2048], strides = [1, 1]} : vector<64x2048xf32> to vector<32x2048xf32>
      %min3A_616 = arith.minimumf %slice3A_614, %slice3A_615 : vector<32x2048xf32>
      %slice3A_617 = vector.extract_strided_slice %min3A_616 {offsets = [0, 0], sizes = [16, 2048], strides = [1, 1]} : vector<32x2048xf32> to vector<16x2048xf32>
      %slice3A_618 = vector.extract_strided_slice %min3A_616 {offsets = [16, 0], sizes = [16, 2048], strides = [1, 1]} : vector<32x2048xf32> to vector<16x2048xf32>
      %min3A_619 = arith.minimumf %slice3A_617, %slice3A_618 : vector<16x2048xf32>
      %slice3A_620 = vector.extract_strided_slice %min3A_619 {offsets = [0, 0], sizes = [8, 2048], strides = [1, 1]} : vector<16x2048xf32> to vector<8x2048xf32>
      %slice3A_621 = vector.extract_strided_slice %min3A_619 {offsets = [8, 0], sizes = [8, 2048], strides = [1, 1]} : vector<16x2048xf32> to vector<8x2048xf32>
      %min3A_622 = arith.minimumf %slice3A_620, %slice3A_621 : vector<8x2048xf32>
      %reduce_min3A_623 = arith.constant dense<0x7F800000> : vector<2048xf32>
      %reduce_min3A_624 = vector.multi_reduction <minimumf>, %min3A_622, %reduce_min3A_623 [0] : vector<8x2048xf32> to vector<2048xf32>
      %broadcast_in_dim3A_625 = vector.shape_cast %reduce_min3A_624 : vector<2048xf32> to vector<1x2048xf32>
      %eq3A_626 = vector.broadcast %broadcast_in_dim3A_625 : vector<1x2048xf32> to vector<512x2048xf32>
      %eq3A_627 = arith.cmpf oeq, %select_n3A_604, %eq3A_626 : vector<512x2048xf32>
      %jit3A_628 = arith.constant 3.000000e+38 : f32
      %broadcast_in_dim3A_629 = vector.broadcast %jit3A_628 : f32 to vector<512x2048xf32>
      %select_n3A_630 = arith.select %eq3A_627, %broadcast_in_dim3A_629, %select_n3A_604 : vector<512x2048xi1>, vector<512x2048xf32>
      %slice3A_631 = vector.extract_strided_slice %select_n3A_630 {offsets = [0, 0], sizes = [256, 2048], strides = [1, 1]} : vector<512x2048xf32> to vector<256x2048xf32>
      %slice3A_632 = vector.extract_strided_slice %select_n3A_630 {offsets = [256, 0], sizes = [256, 2048], strides = [1, 1]} : vector<512x2048xf32> to vector<256x2048xf32>
      %min3A_633 = arith.minimumf %slice3A_631, %slice3A_632 : vector<256x2048xf32>
      %slice3A_634 = vector.extract_strided_slice %min3A_633 {offsets = [0, 0], sizes = [128, 2048], strides = [1, 1]} : vector<256x2048xf32> to vector<128x2048xf32>
      %slice3A_635 = vector.extract_strided_slice %min3A_633 {offsets = [128, 0], sizes = [128, 2048], strides = [1, 1]} : vector<256x2048xf32> to vector<128x2048xf32>
      %min3A_636 = arith.minimumf %slice3A_634, %slice3A_635 : vector<128x2048xf32>
      %slice3A_637 = vector.extract_strided_slice %min3A_636 {offsets = [0, 0], sizes = [64, 2048], strides = [1, 1]} : vector<128x2048xf32> to vector<64x2048xf32>
      %slice3A_638 = vector.extract_strided_slice %min3A_636 {offsets = [64, 0], sizes = [64, 2048], strides = [1, 1]} : vector<128x2048xf32> to vector<64x2048xf32>
      %min3A_639 = arith.minimumf %slice3A_637, %slice3A_638 : vector<64x2048xf32>
      %slice3A_640 = vector.extract_strided_slice %min3A_639 {offsets = [0, 0], sizes = [32, 2048], strides = [1, 1]} : vector<64x2048xf32> to vector<32x2048xf32>
      %slice3A_641 = vector.extract_strided_slice %min3A_639 {offsets = [32, 0], sizes = [32, 2048], strides = [1, 1]} : vector<64x2048xf32> to vector<32x2048xf32>
      %min3A_642 = arith.minimumf %slice3A_640, %slice3A_641 : vector<32x2048xf32>
      %slice3A_643 = vector.extract_strided_slice %min3A_642 {offsets = [0, 0], sizes = [16, 2048], strides = [1, 1]} : vector<32x2048xf32> to vector<16x2048xf32>
      %slice3A_644 = vector.extract_strided_slice %min3A_642 {offsets = [16, 0], sizes = [16, 2048], strides = [1, 1]} : vector<32x2048xf32> to vector<16x2048xf32>
      %min3A_645 = arith.minimumf %slice3A_643, %slice3A_644 : vector<16x2048xf32>
      %slice3A_646 = vector.extract_strided_slice %min3A_645 {offsets = [0, 0], sizes = [8, 2048], strides = [1, 1]} : vector<16x2048xf32> to vector<8x2048xf32>
      %slice3A_647 = vector.extract_strided_slice %min3A_645 {offsets = [8, 0], sizes = [8, 2048], strides = [1, 1]} : vector<16x2048xf32> to vector<8x2048xf32>
      %min3A_648 = arith.minimumf %slice3A_646, %slice3A_647 : vector<8x2048xf32>
      %reduce_min3A_649 = arith.constant dense<0x7F800000> : vector<2048xf32>
      %reduce_min3A_650 = vector.multi_reduction <minimumf>, %min3A_648, %reduce_min3A_649 [0] : vector<8x2048xf32> to vector<2048xf32>
      %broadcast_in_dim3A_651 = vector.shape_cast %reduce_min3A_650 : vector<2048xf32> to vector<1x2048xf32>
      %eq3A_652 = vector.broadcast %broadcast_in_dim3A_651 : vector<1x2048xf32> to vector<512x2048xf32>
      %eq3A_653 = arith.cmpf oeq, %select_n3A_630, %eq3A_652 : vector<512x2048xf32>
      %jit3A_654 = arith.constant 3.000000e+38 : f32
      %broadcast_in_dim3A_655 = vector.broadcast %jit3A_654 : f32 to vector<512x2048xf32>
      %select_n3A_656 = arith.select %eq3A_653, %broadcast_in_dim3A_655, %select_n3A_630 : vector<512x2048xi1>, vector<512x2048xf32>
      %slice3A_657 = vector.extract_strided_slice %select_n3A_656 {offsets = [0, 0], sizes = [256, 2048], strides = [1, 1]} : vector<512x2048xf32> to vector<256x2048xf32>
      %slice3A_658 = vector.extract_strided_slice %select_n3A_656 {offsets = [256, 0], sizes = [256, 2048], strides = [1, 1]} : vector<512x2048xf32> to vector<256x2048xf32>
      %min3A_659 = arith.minimumf %slice3A_657, %slice3A_658 : vector<256x2048xf32>
      %slice3A_660 = vector.extract_strided_slice %min3A_659 {offsets = [0, 0], sizes = [128, 2048], strides = [1, 1]} : vector<256x2048xf32> to vector<128x2048xf32>
      %slice3A_661 = vector.extract_strided_slice %min3A_659 {offsets = [128, 0], sizes = [128, 2048], strides = [1, 1]} : vector<256x2048xf32> to vector<128x2048xf32>
      %min3A_662 = arith.minimumf %slice3A_660, %slice3A_661 : vector<128x2048xf32>
      %slice3A_663 = vector.extract_strided_slice %min3A_662 {offsets = [0, 0], sizes = [64, 2048], strides = [1, 1]} : vector<128x2048xf32> to vector<64x2048xf32>
      %slice3A_664 = vector.extract_strided_slice %min3A_662 {offsets = [64, 0], sizes = [64, 2048], strides = [1, 1]} : vector<128x2048xf32> to vector<64x2048xf32>
      %min3A_665 = arith.minimumf %slice3A_663, %slice3A_664 : vector<64x2048xf32>
      %slice3A_666 = vector.extract_strided_slice %min3A_665 {offsets = [0, 0], sizes = [32, 2048], strides = [1, 1]} : vector<64x2048xf32> to vector<32x2048xf32>
      %slice3A_667 = vector.extract_strided_slice %min3A_665 {offsets = [32, 0], sizes = [32, 2048], strides = [1, 1]} : vector<64x2048xf32> to vector<32x2048xf32>
      %min3A_668 = arith.minimumf %slice3A_666, %slice3A_667 : vector<32x2048xf32>
      %slice3A_669 = vector.extract_strided_slice %min3A_668 {offsets = [0, 0], sizes = [16, 2048], strides = [1, 1]} : vector<32x2048xf32> to vector<16x2048xf32>
      %slice3A_670 = vector.extract_strided_slice %min3A_668 {offsets = [16, 0], sizes = [16, 2048], strides = [1, 1]} : vector<32x2048xf32> to vector<16x2048xf32>
      %min3A_671 = arith.minimumf %slice3A_669, %slice3A_670 : vector<16x2048xf32>
      %slice3A_672 = vector.extract_strided_slice %min3A_671 {offsets = [0, 0], sizes = [8, 2048], strides = [1, 1]} : vector<16x2048xf32> to vector<8x2048xf32>
      %slice3A_673 = vector.extract_strided_slice %min3A_671 {offsets = [8, 0], sizes = [8, 2048], strides = [1, 1]} : vector<16x2048xf32> to vector<8x2048xf32>
      %min3A_674 = arith.minimumf %slice3A_672, %slice3A_673 : vector<8x2048xf32>
      %reduce_min3A_675 = arith.constant dense<0x7F800000> : vector<2048xf32>
      %reduce_min3A_676 = vector.multi_reduction <minimumf>, %min3A_674, %reduce_min3A_675 [0] : vector<8x2048xf32> to vector<2048xf32>
      %broadcast_in_dim3A_677 = vector.shape_cast %reduce_min3A_676 : vector<2048xf32> to vector<1x2048xf32>
      %eq3A_678 = vector.broadcast %broadcast_in_dim3A_677 : vector<1x2048xf32> to vector<512x2048xf32>
      %eq3A_679 = arith.cmpf oeq, %select_n3A_656, %eq3A_678 : vector<512x2048xf32>
      %jit3A_680 = arith.constant 3.000000e+38 : f32
      %broadcast_in_dim3A_681 = vector.broadcast %jit3A_680 : f32 to vector<512x2048xf32>
      %select_n3A_682 = arith.select %eq3A_679, %broadcast_in_dim3A_681, %select_n3A_656 : vector<512x2048xi1>, vector<512x2048xf32>
      %slice3A_683 = vector.extract_strided_slice %select_n3A_682 {offsets = [0, 0], sizes = [256, 2048], strides = [1, 1]} : vector<512x2048xf32> to vector<256x2048xf32>
      %slice3A_684 = vector.extract_strided_slice %select_n3A_682 {offsets = [256, 0], sizes = [256, 2048], strides = [1, 1]} : vector<512x2048xf32> to vector<256x2048xf32>
      %min3A_685 = arith.minimumf %slice3A_683, %slice3A_684 : vector<256x2048xf32>
      %slice3A_686 = vector.extract_strided_slice %min3A_685 {offsets = [0, 0], sizes = [128, 2048], strides = [1, 1]} : vector<256x2048xf32> to vector<128x2048xf32>
      %slice3A_687 = vector.extract_strided_slice %min3A_685 {offsets = [128, 0], sizes = [128, 2048], strides = [1, 1]} : vector<256x2048xf32> to vector<128x2048xf32>
      %min3A_688 = arith.minimumf %slice3A_686, %slice3A_687 : vector<128x2048xf32>
      %slice3A_689 = vector.extract_strided_slice %min3A_688 {offsets = [0, 0], sizes = [64, 2048], strides = [1, 1]} : vector<128x2048xf32> to vector<64x2048xf32>
      %slice3A_690 = vector.extract_strided_slice %min3A_688 {offsets = [64, 0], sizes = [64, 2048], strides = [1, 1]} : vector<128x2048xf32> to vector<64x2048xf32>
      %min3A_691 = arith.minimumf %slice3A_689, %slice3A_690 : vector<64x2048xf32>
      %slice3A_692 = vector.extract_strided_slice %min3A_691 {offsets = [0, 0], sizes = [32, 2048], strides = [1, 1]} : vector<64x2048xf32> to vector<32x2048xf32>
      %slice3A_693 = vector.extract_strided_slice %min3A_691 {offsets = [32, 0], sizes = [32, 2048], strides = [1, 1]} : vector<64x2048xf32> to vector<32x2048xf32>
      %min3A_694 = arith.minimumf %slice3A_692, %slice3A_693 : vector<32x2048xf32>
      %slice3A_695 = vector.extract_strided_slice %min3A_694 {offsets = [0, 0], sizes = [16, 2048], strides = [1, 1]} : vector<32x2048xf32> to vector<16x2048xf32>
      %slice3A_696 = vector.extract_strided_slice %min3A_694 {offsets = [16, 0], sizes = [16, 2048], strides = [1, 1]} : vector<32x2048xf32> to vector<16x2048xf32>
      %min3A_697 = arith.minimumf %slice3A_695, %slice3A_696 : vector<16x2048xf32>
      %slice3A_698 = vector.extract_strided_slice %min3A_697 {offsets = [0, 0], sizes = [8, 2048], strides = [1, 1]} : vector<16x2048xf32> to vector<8x2048xf32>
      %slice3A_699 = vector.extract_strided_slice %min3A_697 {offsets = [8, 0], sizes = [8, 2048], strides = [1, 1]} : vector<16x2048xf32> to vector<8x2048xf32>
      %min3A_700 = arith.minimumf %slice3A_698, %slice3A_699 : vector<8x2048xf32>
      %reduce_min3A_701 = arith.constant dense<0x7F800000> : vector<2048xf32>
      %reduce_min3A_702 = vector.multi_reduction <minimumf>, %min3A_700, %reduce_min3A_701 [0] : vector<8x2048xf32> to vector<2048xf32>
      %broadcast_in_dim3A_703 = vector.shape_cast %reduce_min3A_702 : vector<2048xf32> to vector<1x2048xf32>
      %eq3A_704 = vector.broadcast %broadcast_in_dim3A_703 : vector<1x2048xf32> to vector<512x2048xf32>
      %eq3A_705 = arith.cmpf oeq, %select_n3A_682, %eq3A_704 : vector<512x2048xf32>
      %jit3A_706 = arith.constant 3.000000e+38 : f32
      %broadcast_in_dim3A_707 = vector.broadcast %jit3A_706 : f32 to vector<512x2048xf32>
      %select_n3A_708 = arith.select %eq3A_705, %broadcast_in_dim3A_707, %select_n3A_682 : vector<512x2048xi1>, vector<512x2048xf32>
      %slice3A_709 = vector.extract_strided_slice %select_n3A_708 {offsets = [0, 0], sizes = [256, 2048], strides = [1, 1]} : vector<512x2048xf32> to vector<256x2048xf32>
      %slice3A_710 = vector.extract_strided_slice %select_n3A_708 {offsets = [256, 0], sizes = [256, 2048], strides = [1, 1]} : vector<512x2048xf32> to vector<256x2048xf32>
      %min3A_711 = arith.minimumf %slice3A_709, %slice3A_710 : vector<256x2048xf32>
      %slice3A_712 = vector.extract_strided_slice %min3A_711 {offsets = [0, 0], sizes = [128, 2048], strides = [1, 1]} : vector<256x2048xf32> to vector<128x2048xf32>
      %slice3A_713 = vector.extract_strided_slice %min3A_711 {offsets = [128, 0], sizes = [128, 2048], strides = [1, 1]} : vector<256x2048xf32> to vector<128x2048xf32>
      %min3A_714 = arith.minimumf %slice3A_712, %slice3A_713 : vector<128x2048xf32>
      %slice3A_715 = vector.extract_strided_slice %min3A_714 {offsets = [0, 0], sizes = [64, 2048], strides = [1, 1]} : vector<128x2048xf32> to vector<64x2048xf32>
      %slice3A_716 = vector.extract_strided_slice %min3A_714 {offsets = [64, 0], sizes = [64, 2048], strides = [1, 1]} : vector<128x2048xf32> to vector<64x2048xf32>
      %min3A_717 = arith.minimumf %slice3A_715, %slice3A_716 : vector<64x2048xf32>
      %slice3A_718 = vector.extract_strided_slice %min3A_717 {offsets = [0, 0], sizes = [32, 2048], strides = [1, 1]} : vector<64x2048xf32> to vector<32x2048xf32>
      %slice3A_719 = vector.extract_strided_slice %min3A_717 {offsets = [32, 0], sizes = [32, 2048], strides = [1, 1]} : vector<64x2048xf32> to vector<32x2048xf32>
      %min3A_720 = arith.minimumf %slice3A_718, %slice3A_719 : vector<32x2048xf32>
      %slice3A_721 = vector.extract_strided_slice %min3A_720 {offsets = [0, 0], sizes = [16, 2048], strides = [1, 1]} : vector<32x2048xf32> to vector<16x2048xf32>
      %slice3A_722 = vector.extract_strided_slice %min3A_720 {offsets = [16, 0], sizes = [16, 2048], strides = [1, 1]} : vector<32x2048xf32> to vector<16x2048xf32>
      %min3A_723 = arith.minimumf %slice3A_721, %slice3A_722 : vector<16x2048xf32>
      %slice3A_724 = vector.extract_strided_slice %min3A_723 {offsets = [0, 0], sizes = [8, 2048], strides = [1, 1]} : vector<16x2048xf32> to vector<8x2048xf32>
      %slice3A_725 = vector.extract_strided_slice %min3A_723 {offsets = [8, 0], sizes = [8, 2048], strides = [1, 1]} : vector<16x2048xf32> to vector<8x2048xf32>
      %min3A_726 = arith.minimumf %slice3A_724, %slice3A_725 : vector<8x2048xf32>
      %reduce_min3A_727 = arith.constant dense<0x7F800000> : vector<2048xf32>
      %reduce_min3A_728 = vector.multi_reduction <minimumf>, %min3A_726, %reduce_min3A_727 [0] : vector<8x2048xf32> to vector<2048xf32>
      %broadcast_in_dim3A_729 = vector.shape_cast %reduce_min3A_728 : vector<2048xf32> to vector<1x2048xf32>
      %eq3A_730 = vector.broadcast %broadcast_in_dim3A_729 : vector<1x2048xf32> to vector<512x2048xf32>
      %eq3A_731 = arith.cmpf oeq, %select_n3A_708, %eq3A_730 : vector<512x2048xf32>
      %jit3A_732 = arith.constant 3.000000e+38 : f32
      %broadcast_in_dim3A_733 = vector.broadcast %jit3A_732 : f32 to vector<512x2048xf32>
      %select_n3A_734 = arith.select %eq3A_731, %broadcast_in_dim3A_733, %select_n3A_708 : vector<512x2048xi1>, vector<512x2048xf32>
      %slice3A_735 = vector.extract_strided_slice %select_n3A_734 {offsets = [0, 0], sizes = [256, 2048], strides = [1, 1]} : vector<512x2048xf32> to vector<256x2048xf32>
      %slice3A_736 = vector.extract_strided_slice %select_n3A_734 {offsets = [256, 0], sizes = [256, 2048], strides = [1, 1]} : vector<512x2048xf32> to vector<256x2048xf32>
      %min3A_737 = arith.minimumf %slice3A_735, %slice3A_736 : vector<256x2048xf32>
      %slice3A_738 = vector.extract_strided_slice %min3A_737 {offsets = [0, 0], sizes = [128, 2048], strides = [1, 1]} : vector<256x2048xf32> to vector<128x2048xf32>
      %slice3A_739 = vector.extract_strided_slice %min3A_737 {offsets = [128, 0], sizes = [128, 2048], strides = [1, 1]} : vector<256x2048xf32> to vector<128x2048xf32>
      %min3A_740 = arith.minimumf %slice3A_738, %slice3A_739 : vector<128x2048xf32>
      %slice3A_741 = vector.extract_strided_slice %min3A_740 {offsets = [0, 0], sizes = [64, 2048], strides = [1, 1]} : vector<128x2048xf32> to vector<64x2048xf32>
      %slice3A_742 = vector.extract_strided_slice %min3A_740 {offsets = [64, 0], sizes = [64, 2048], strides = [1, 1]} : vector<128x2048xf32> to vector<64x2048xf32>
      %min3A_743 = arith.minimumf %slice3A_741, %slice3A_742 : vector<64x2048xf32>
      %slice3A_744 = vector.extract_strided_slice %min3A_743 {offsets = [0, 0], sizes = [32, 2048], strides = [1, 1]} : vector<64x2048xf32> to vector<32x2048xf32>
      %slice3A_745 = vector.extract_strided_slice %min3A_743 {offsets = [32, 0], sizes = [32, 2048], strides = [1, 1]} : vector<64x2048xf32> to vector<32x2048xf32>
      %min3A_746 = arith.minimumf %slice3A_744, %slice3A_745 : vector<32x2048xf32>
      %slice3A_747 = vector.extract_strided_slice %min3A_746 {offsets = [0, 0], sizes = [16, 2048], strides = [1, 1]} : vector<32x2048xf32> to vector<16x2048xf32>
      %slice3A_748 = vector.extract_strided_slice %min3A_746 {offsets = [16, 0], sizes = [16, 2048], strides = [1, 1]} : vector<32x2048xf32> to vector<16x2048xf32>
      %min3A_749 = arith.minimumf %slice3A_747, %slice3A_748 : vector<16x2048xf32>
      %slice3A_750 = vector.extract_strided_slice %min3A_749 {offsets = [0, 0], sizes = [8, 2048], strides = [1, 1]} : vector<16x2048xf32> to vector<8x2048xf32>
      %slice3A_751 = vector.extract_strided_slice %min3A_749 {offsets = [8, 0], sizes = [8, 2048], strides = [1, 1]} : vector<16x2048xf32> to vector<8x2048xf32>
      %min3A_752 = arith.minimumf %slice3A_750, %slice3A_751 : vector<8x2048xf32>
      %reduce_min3A_753 = arith.constant dense<0x7F800000> : vector<2048xf32>
      %reduce_min3A_754 = vector.multi_reduction <minimumf>, %min3A_752, %reduce_min3A_753 [0] : vector<8x2048xf32> to vector<2048xf32>
      %broadcast_in_dim3A_755 = vector.shape_cast %reduce_min3A_754 : vector<2048xf32> to vector<1x2048xf32>
      %eq3A_756 = vector.broadcast %broadcast_in_dim3A_755 : vector<1x2048xf32> to vector<512x2048xf32>
      %eq3A_757 = arith.cmpf oeq, %select_n3A_734, %eq3A_756 : vector<512x2048xf32>
      %jit3A_758 = arith.constant 3.000000e+38 : f32
      %broadcast_in_dim3A_759 = vector.broadcast %jit3A_758 : f32 to vector<512x2048xf32>
      %select_n3A_760 = arith.select %eq3A_757, %broadcast_in_dim3A_759, %select_n3A_734 : vector<512x2048xi1>, vector<512x2048xf32>
      %slice3A_761 = vector.extract_strided_slice %select_n3A_760 {offsets = [0, 0], sizes = [256, 2048], strides = [1, 1]} : vector<512x2048xf32> to vector<256x2048xf32>
      %slice3A_762 = vector.extract_strided_slice %select_n3A_760 {offsets = [256, 0], sizes = [256, 2048], strides = [1, 1]} : vector<512x2048xf32> to vector<256x2048xf32>
      %min3A_763 = arith.minimumf %slice3A_761, %slice3A_762 : vector<256x2048xf32>
      %slice3A_764 = vector.extract_strided_slice %min3A_763 {offsets = [0, 0], sizes = [128, 2048], strides = [1, 1]} : vector<256x2048xf32> to vector<128x2048xf32>
      %slice3A_765 = vector.extract_strided_slice %min3A_763 {offsets = [128, 0], sizes = [128, 2048], strides = [1, 1]} : vector<256x2048xf32> to vector<128x2048xf32>
      %min3A_766 = arith.minimumf %slice3A_764, %slice3A_765 : vector<128x2048xf32>
      %slice3A_767 = vector.extract_strided_slice %min3A_766 {offsets = [0, 0], sizes = [64, 2048], strides = [1, 1]} : vector<128x2048xf32> to vector<64x2048xf32>
      %slice3A_768 = vector.extract_strided_slice %min3A_766 {offsets = [64, 0], sizes = [64, 2048], strides = [1, 1]} : vector<128x2048xf32> to vector<64x2048xf32>
      %min3A_769 = arith.minimumf %slice3A_767, %slice3A_768 : vector<64x2048xf32>
      %slice3A_770 = vector.extract_strided_slice %min3A_769 {offsets = [0, 0], sizes = [32, 2048], strides = [1, 1]} : vector<64x2048xf32> to vector<32x2048xf32>
      %slice3A_771 = vector.extract_strided_slice %min3A_769 {offsets = [32, 0], sizes = [32, 2048], strides = [1, 1]} : vector<64x2048xf32> to vector<32x2048xf32>
      %min3A_772 = arith.minimumf %slice3A_770, %slice3A_771 : vector<32x2048xf32>
      %slice3A_773 = vector.extract_strided_slice %min3A_772 {offsets = [0, 0], sizes = [16, 2048], strides = [1, 1]} : vector<32x2048xf32> to vector<16x2048xf32>
      %slice3A_774 = vector.extract_strided_slice %min3A_772 {offsets = [16, 0], sizes = [16, 2048], strides = [1, 1]} : vector<32x2048xf32> to vector<16x2048xf32>
      %min3A_775 = arith.minimumf %slice3A_773, %slice3A_774 : vector<16x2048xf32>
      %slice3A_776 = vector.extract_strided_slice %min3A_775 {offsets = [0, 0], sizes = [8, 2048], strides = [1, 1]} : vector<16x2048xf32> to vector<8x2048xf32>
      %slice3A_777 = vector.extract_strided_slice %min3A_775 {offsets = [8, 0], sizes = [8, 2048], strides = [1, 1]} : vector<16x2048xf32> to vector<8x2048xf32>
      %min3A_778 = arith.minimumf %slice3A_776, %slice3A_777 : vector<8x2048xf32>
      %reduce_min3A_779 = arith.constant dense<0x7F800000> : vector<2048xf32>
      %reduce_min3A_780 = vector.multi_reduction <minimumf>, %min3A_778, %reduce_min3A_779 [0] : vector<8x2048xf32> to vector<2048xf32>
      %broadcast_in_dim3A_781 = vector.shape_cast %reduce_min3A_780 : vector<2048xf32> to vector<1x2048xf32>
      %eq3A_782 = vector.broadcast %broadcast_in_dim3A_781 : vector<1x2048xf32> to vector<512x2048xf32>
      %eq3A_783 = arith.cmpf oeq, %select_n3A_760, %eq3A_782 : vector<512x2048xf32>
      %jit3A_784 = arith.constant 3.000000e+38 : f32
      %broadcast_in_dim3A_785 = vector.broadcast %jit3A_784 : f32 to vector<512x2048xf32>
      %select_n3A_786 = arith.select %eq3A_783, %broadcast_in_dim3A_785, %select_n3A_760 : vector<512x2048xi1>, vector<512x2048xf32>
      %slice3A_787 = vector.extract_strided_slice %select_n3A_786 {offsets = [0, 0], sizes = [256, 2048], strides = [1, 1]} : vector<512x2048xf32> to vector<256x2048xf32>
      %slice3A_788 = vector.extract_strided_slice %select_n3A_786 {offsets = [256, 0], sizes = [256, 2048], strides = [1, 1]} : vector<512x2048xf32> to vector<256x2048xf32>
      %min3A_789 = arith.minimumf %slice3A_787, %slice3A_788 : vector<256x2048xf32>
      %slice3A_790 = vector.extract_strided_slice %min3A_789 {offsets = [0, 0], sizes = [128, 2048], strides = [1, 1]} : vector<256x2048xf32> to vector<128x2048xf32>
      %slice3A_791 = vector.extract_strided_slice %min3A_789 {offsets = [128, 0], sizes = [128, 2048], strides = [1, 1]} : vector<256x2048xf32> to vector<128x2048xf32>
      %min3A_792 = arith.minimumf %slice3A_790, %slice3A_791 : vector<128x2048xf32>
      %slice3A_793 = vector.extract_strided_slice %min3A_792 {offsets = [0, 0], sizes = [64, 2048], strides = [1, 1]} : vector<128x2048xf32> to vector<64x2048xf32>
      %slice3A_794 = vector.extract_strided_slice %min3A_792 {offsets = [64, 0], sizes = [64, 2048], strides = [1, 1]} : vector<128x2048xf32> to vector<64x2048xf32>
      %min3A_795 = arith.minimumf %slice3A_793, %slice3A_794 : vector<64x2048xf32>
      %slice3A_796 = vector.extract_strided_slice %min3A_795 {offsets = [0, 0], sizes = [32, 2048], strides = [1, 1]} : vector<64x2048xf32> to vector<32x2048xf32>
      %slice3A_797 = vector.extract_strided_slice %min3A_795 {offsets = [32, 0], sizes = [32, 2048], strides = [1, 1]} : vector<64x2048xf32> to vector<32x2048xf32>
      %min3A_798 = arith.minimumf %slice3A_796, %slice3A_797 : vector<32x2048xf32>
      %slice3A_799 = vector.extract_strided_slice %min3A_798 {offsets = [0, 0], sizes = [16, 2048], strides = [1, 1]} : vector<32x2048xf32> to vector<16x2048xf32>
      %slice3A_800 = vector.extract_strided_slice %min3A_798 {offsets = [16, 0], sizes = [16, 2048], strides = [1, 1]} : vector<32x2048xf32> to vector<16x2048xf32>
      %min3A_801 = arith.minimumf %slice3A_799, %slice3A_800 : vector<16x2048xf32>
      %slice3A_802 = vector.extract_strided_slice %min3A_801 {offsets = [0, 0], sizes = [8, 2048], strides = [1, 1]} : vector<16x2048xf32> to vector<8x2048xf32>
      %slice3A_803 = vector.extract_strided_slice %min3A_801 {offsets = [8, 0], sizes = [8, 2048], strides = [1, 1]} : vector<16x2048xf32> to vector<8x2048xf32>
      %min3A_804 = arith.minimumf %slice3A_802, %slice3A_803 : vector<8x2048xf32>
      %reduce_min3A_805 = arith.constant dense<0x7F800000> : vector<2048xf32>
      %reduce_min3A_806 = vector.multi_reduction <minimumf>, %min3A_804, %reduce_min3A_805 [0] : vector<8x2048xf32> to vector<2048xf32>
      %broadcast_in_dim3A_807 = vector.shape_cast %reduce_min3A_806 : vector<2048xf32> to vector<1x2048xf32>
      %eq3A_808 = vector.broadcast %broadcast_in_dim3A_807 : vector<1x2048xf32> to vector<512x2048xf32>
      %eq3A_809 = arith.cmpf oeq, %select_n3A_786, %eq3A_808 : vector<512x2048xf32>
      %jit3A_810 = arith.constant 3.000000e+38 : f32
      %broadcast_in_dim3A_811 = vector.broadcast %jit3A_810 : f32 to vector<512x2048xf32>
      %select_n3A_812 = arith.select %eq3A_809, %broadcast_in_dim3A_811, %select_n3A_786 : vector<512x2048xi1>, vector<512x2048xf32>
      %slice3A_813 = vector.extract_strided_slice %select_n3A_812 {offsets = [0, 0], sizes = [256, 2048], strides = [1, 1]} : vector<512x2048xf32> to vector<256x2048xf32>
      %slice3A_814 = vector.extract_strided_slice %select_n3A_812 {offsets = [256, 0], sizes = [256, 2048], strides = [1, 1]} : vector<512x2048xf32> to vector<256x2048xf32>
      %min3A_815 = arith.minimumf %slice3A_813, %slice3A_814 : vector<256x2048xf32>
      %slice3A_816 = vector.extract_strided_slice %min3A_815 {offsets = [0, 0], sizes = [128, 2048], strides = [1, 1]} : vector<256x2048xf32> to vector<128x2048xf32>
      %slice3A_817 = vector.extract_strided_slice %min3A_815 {offsets = [128, 0], sizes = [128, 2048], strides = [1, 1]} : vector<256x2048xf32> to vector<128x2048xf32>
      %min3A_818 = arith.minimumf %slice3A_816, %slice3A_817 : vector<128x2048xf32>
      %slice3A_819 = vector.extract_strided_slice %min3A_818 {offsets = [0, 0], sizes = [64, 2048], strides = [1, 1]} : vector<128x2048xf32> to vector<64x2048xf32>
      %slice3A_820 = vector.extract_strided_slice %min3A_818 {offsets = [64, 0], sizes = [64, 2048], strides = [1, 1]} : vector<128x2048xf32> to vector<64x2048xf32>
      %min3A_821 = arith.minimumf %slice3A_819, %slice3A_820 : vector<64x2048xf32>
      %slice3A_822 = vector.extract_strided_slice %min3A_821 {offsets = [0, 0], sizes = [32, 2048], strides = [1, 1]} : vector<64x2048xf32> to vector<32x2048xf32>
      %slice3A_823 = vector.extract_strided_slice %min3A_821 {offsets = [32, 0], sizes = [32, 2048], strides = [1, 1]} : vector<64x2048xf32> to vector<32x2048xf32>
      %min3A_824 = arith.minimumf %slice3A_822, %slice3A_823 : vector<32x2048xf32>
      %slice3A_825 = vector.extract_strided_slice %min3A_824 {offsets = [0, 0], sizes = [16, 2048], strides = [1, 1]} : vector<32x2048xf32> to vector<16x2048xf32>
      %slice3A_826 = vector.extract_strided_slice %min3A_824 {offsets = [16, 0], sizes = [16, 2048], strides = [1, 1]} : vector<32x2048xf32> to vector<16x2048xf32>
      %min3A_827 = arith.minimumf %slice3A_825, %slice3A_826 : vector<16x2048xf32>
      %slice3A_828 = vector.extract_strided_slice %min3A_827 {offsets = [0, 0], sizes = [8, 2048], strides = [1, 1]} : vector<16x2048xf32> to vector<8x2048xf32>
      %slice3A_829 = vector.extract_strided_slice %min3A_827 {offsets = [8, 0], sizes = [8, 2048], strides = [1, 1]} : vector<16x2048xf32> to vector<8x2048xf32>
      %min3A_830 = arith.minimumf %slice3A_828, %slice3A_829 : vector<8x2048xf32>
      %reduce_min3A_831 = arith.constant dense<0x7F800000> : vector<2048xf32>
      %reduce_min3A_832 = vector.multi_reduction <minimumf>, %min3A_830, %reduce_min3A_831 [0] : vector<8x2048xf32> to vector<2048xf32>
      %broadcast_in_dim3A_833 = vector.shape_cast %reduce_min3A_832 : vector<2048xf32> to vector<1x2048xf32>
      %eq3A_834 = vector.broadcast %broadcast_in_dim3A_833 : vector<1x2048xf32> to vector<512x2048xf32>
      %eq3A_835 = arith.cmpf oeq, %select_n3A_812, %eq3A_834 : vector<512x2048xf32>
      %jit3A_836 = arith.constant 3.000000e+38 : f32
      %broadcast_in_dim3A_837 = vector.broadcast %jit3A_836 : f32 to vector<512x2048xf32>
      %select_n3A_838 = arith.select %eq3A_835, %broadcast_in_dim3A_837, %select_n3A_812 : vector<512x2048xi1>, vector<512x2048xf32>
      %slice3A_839 = vector.extract_strided_slice %select_n3A_838 {offsets = [0, 0], sizes = [256, 2048], strides = [1, 1]} : vector<512x2048xf32> to vector<256x2048xf32>
      %slice3A_840 = vector.extract_strided_slice %select_n3A_838 {offsets = [256, 0], sizes = [256, 2048], strides = [1, 1]} : vector<512x2048xf32> to vector<256x2048xf32>
      %min3A_841 = arith.minimumf %slice3A_839, %slice3A_840 : vector<256x2048xf32>
      %slice3A_842 = vector.extract_strided_slice %min3A_841 {offsets = [0, 0], sizes = [128, 2048], strides = [1, 1]} : vector<256x2048xf32> to vector<128x2048xf32>
      %slice3A_843 = vector.extract_strided_slice %min3A_841 {offsets = [128, 0], sizes = [128, 2048], strides = [1, 1]} : vector<256x2048xf32> to vector<128x2048xf32>
      %min3A_844 = arith.minimumf %slice3A_842, %slice3A_843 : vector<128x2048xf32>
      %slice3A_845 = vector.extract_strided_slice %min3A_844 {offsets = [0, 0], sizes = [64, 2048], strides = [1, 1]} : vector<128x2048xf32> to vector<64x2048xf32>
      %slice3A_846 = vector.extract_strided_slice %min3A_844 {offsets = [64, 0], sizes = [64, 2048], strides = [1, 1]} : vector<128x2048xf32> to vector<64x2048xf32>
      %min3A_847 = arith.minimumf %slice3A_845, %slice3A_846 : vector<64x2048xf32>
      %slice3A_848 = vector.extract_strided_slice %min3A_847 {offsets = [0, 0], sizes = [32, 2048], strides = [1, 1]} : vector<64x2048xf32> to vector<32x2048xf32>
      %slice3A_849 = vector.extract_strided_slice %min3A_847 {offsets = [32, 0], sizes = [32, 2048], strides = [1, 1]} : vector<64x2048xf32> to vector<32x2048xf32>
      %min3A_850 = arith.minimumf %slice3A_848, %slice3A_849 : vector<32x2048xf32>
      %slice3A_851 = vector.extract_strided_slice %min3A_850 {offsets = [0, 0], sizes = [16, 2048], strides = [1, 1]} : vector<32x2048xf32> to vector<16x2048xf32>
      %slice3A_852 = vector.extract_strided_slice %min3A_850 {offsets = [16, 0], sizes = [16, 2048], strides = [1, 1]} : vector<32x2048xf32> to vector<16x2048xf32>
      %min3A_853 = arith.minimumf %slice3A_851, %slice3A_852 : vector<16x2048xf32>
      %slice3A_854 = vector.extract_strided_slice %min3A_853 {offsets = [0, 0], sizes = [8, 2048], strides = [1, 1]} : vector<16x2048xf32> to vector<8x2048xf32>
      %slice3A_855 = vector.extract_strided_slice %min3A_853 {offsets = [8, 0], sizes = [8, 2048], strides = [1, 1]} : vector<16x2048xf32> to vector<8x2048xf32>
      %min3A_856 = arith.minimumf %slice3A_854, %slice3A_855 : vector<8x2048xf32>
      %reduce_min3A_857 = arith.constant dense<0x7F800000> : vector<2048xf32>
      %reduce_min3A_858 = vector.multi_reduction <minimumf>, %min3A_856, %reduce_min3A_857 [0] : vector<8x2048xf32> to vector<2048xf32>
      %broadcast_in_dim3A_859 = vector.shape_cast %reduce_min3A_858 : vector<2048xf32> to vector<1x2048xf32>
      %eq3A_860 = vector.broadcast %broadcast_in_dim3A_859 : vector<1x2048xf32> to vector<512x2048xf32>
      %eq3A_861 = arith.cmpf oeq, %select_n3A_838, %eq3A_860 : vector<512x2048xf32>
      %jit3A_862 = arith.constant 3.000000e+38 : f32
      %broadcast_in_dim3A_863 = vector.broadcast %jit3A_862 : f32 to vector<512x2048xf32>
      %select_n3A_864 = arith.select %eq3A_861, %broadcast_in_dim3A_863, %select_n3A_838 : vector<512x2048xi1>, vector<512x2048xf32>
      %slice3A_865 = vector.extract_strided_slice %select_n3A_864 {offsets = [0, 0], sizes = [256, 2048], strides = [1, 1]} : vector<512x2048xf32> to vector<256x2048xf32>
      %slice3A_866 = vector.extract_strided_slice %select_n3A_864 {offsets = [256, 0], sizes = [256, 2048], strides = [1, 1]} : vector<512x2048xf32> to vector<256x2048xf32>
      %min3A_867 = arith.minimumf %slice3A_865, %slice3A_866 : vector<256x2048xf32>
      %slice3A_868 = vector.extract_strided_slice %min3A_867 {offsets = [0, 0], sizes = [128, 2048], strides = [1, 1]} : vector<256x2048xf32> to vector<128x2048xf32>
      %slice3A_869 = vector.extract_strided_slice %min3A_867 {offsets = [128, 0], sizes = [128, 2048], strides = [1, 1]} : vector<256x2048xf32> to vector<128x2048xf32>
      %min3A_870 = arith.minimumf %slice3A_868, %slice3A_869 : vector<128x2048xf32>
      %slice3A_871 = vector.extract_strided_slice %min3A_870 {offsets = [0, 0], sizes = [64, 2048], strides = [1, 1]} : vector<128x2048xf32> to vector<64x2048xf32>
      %slice3A_872 = vector.extract_strided_slice %min3A_870 {offsets = [64, 0], sizes = [64, 2048], strides = [1, 1]} : vector<128x2048xf32> to vector<64x2048xf32>
      %min3A_873 = arith.minimumf %slice3A_871, %slice3A_872 : vector<64x2048xf32>
      %slice3A_874 = vector.extract_strided_slice %min3A_873 {offsets = [0, 0], sizes = [32, 2048], strides = [1, 1]} : vector<64x2048xf32> to vector<32x2048xf32>
      %slice3A_875 = vector.extract_strided_slice %min3A_873 {offsets = [32, 0], sizes = [32, 2048], strides = [1, 1]} : vector<64x2048xf32> to vector<32x2048xf32>
      %min3A_876 = arith.minimumf %slice3A_874, %slice3A_875 : vector<32x2048xf32>
      %slice3A_877 = vector.extract_strided_slice %min3A_876 {offsets = [0, 0], sizes = [16, 2048], strides = [1, 1]} : vector<32x2048xf32> to vector<16x2048xf32>
      %slice3A_878 = vector.extract_strided_slice %min3A_876 {offsets = [16, 0], sizes = [16, 2048], strides = [1, 1]} : vector<32x2048xf32> to vector<16x2048xf32>
      %min3A_879 = arith.minimumf %slice3A_877, %slice3A_878 : vector<16x2048xf32>
      %slice3A_880 = vector.extract_strided_slice %min3A_879 {offsets = [0, 0], sizes = [8, 2048], strides = [1, 1]} : vector<16x2048xf32> to vector<8x2048xf32>
      %slice3A_881 = vector.extract_strided_slice %min3A_879 {offsets = [8, 0], sizes = [8, 2048], strides = [1, 1]} : vector<16x2048xf32> to vector<8x2048xf32>
      %min3A_882 = arith.minimumf %slice3A_880, %slice3A_881 : vector<8x2048xf32>
      %reduce_min3A_883 = arith.constant dense<0x7F800000> : vector<2048xf32>
      %reduce_min3A_884 = vector.multi_reduction <minimumf>, %min3A_882, %reduce_min3A_883 [0] : vector<8x2048xf32> to vector<2048xf32>
      %broadcast_in_dim3A_885 = vector.shape_cast %reduce_min3A_884 : vector<2048xf32> to vector<1x2048xf32>
      %eq3A_886 = vector.broadcast %broadcast_in_dim3A_885 : vector<1x2048xf32> to vector<512x2048xf32>
      %eq3A_887 = arith.cmpf oeq, %select_n3A_864, %eq3A_886 : vector<512x2048xf32>
      %jit3A_888 = arith.constant 3.000000e+38 : f32
      %broadcast_in_dim3A_889 = vector.broadcast %jit3A_888 : f32 to vector<512x2048xf32>
      %select_n3A_890 = arith.select %eq3A_887, %broadcast_in_dim3A_889, %select_n3A_864 : vector<512x2048xi1>, vector<512x2048xf32>
      %slice3A_891 = vector.extract_strided_slice %select_n3A_890 {offsets = [0, 0], sizes = [256, 2048], strides = [1, 1]} : vector<512x2048xf32> to vector<256x2048xf32>
      %slice3A_892 = vector.extract_strided_slice %select_n3A_890 {offsets = [256, 0], sizes = [256, 2048], strides = [1, 1]} : vector<512x2048xf32> to vector<256x2048xf32>
      %min3A_893 = arith.minimumf %slice3A_891, %slice3A_892 : vector<256x2048xf32>
      %slice3A_894 = vector.extract_strided_slice %min3A_893 {offsets = [0, 0], sizes = [128, 2048], strides = [1, 1]} : vector<256x2048xf32> to vector<128x2048xf32>
      %slice3A_895 = vector.extract_strided_slice %min3A_893 {offsets = [128, 0], sizes = [128, 2048], strides = [1, 1]} : vector<256x2048xf32> to vector<128x2048xf32>
      %min3A_896 = arith.minimumf %slice3A_894, %slice3A_895 : vector<128x2048xf32>
      %slice3A_897 = vector.extract_strided_slice %min3A_896 {offsets = [0, 0], sizes = [64, 2048], strides = [1, 1]} : vector<128x2048xf32> to vector<64x2048xf32>
      %slice3A_898 = vector.extract_strided_slice %min3A_896 {offsets = [64, 0], sizes = [64, 2048], strides = [1, 1]} : vector<128x2048xf32> to vector<64x2048xf32>
      %min3A_899 = arith.minimumf %slice3A_897, %slice3A_898 : vector<64x2048xf32>
      %slice3A_900 = vector.extract_strided_slice %min3A_899 {offsets = [0, 0], sizes = [32, 2048], strides = [1, 1]} : vector<64x2048xf32> to vector<32x2048xf32>
      %slice3A_901 = vector.extract_strided_slice %min3A_899 {offsets = [32, 0], sizes = [32, 2048], strides = [1, 1]} : vector<64x2048xf32> to vector<32x2048xf32>
      %min3A_902 = arith.minimumf %slice3A_900, %slice3A_901 : vector<32x2048xf32>
      %slice3A_903 = vector.extract_strided_slice %min3A_902 {offsets = [0, 0], sizes = [16, 2048], strides = [1, 1]} : vector<32x2048xf32> to vector<16x2048xf32>
      %slice3A_904 = vector.extract_strided_slice %min3A_902 {offsets = [16, 0], sizes = [16, 2048], strides = [1, 1]} : vector<32x2048xf32> to vector<16x2048xf32>
      %min3A_905 = arith.minimumf %slice3A_903, %slice3A_904 : vector<16x2048xf32>
      %slice3A_906 = vector.extract_strided_slice %min3A_905 {offsets = [0, 0], sizes = [8, 2048], strides = [1, 1]} : vector<16x2048xf32> to vector<8x2048xf32>
      %slice3A_907 = vector.extract_strided_slice %min3A_905 {offsets = [8, 0], sizes = [8, 2048], strides = [1, 1]} : vector<16x2048xf32> to vector<8x2048xf32>
      %min3A_908 = arith.minimumf %slice3A_906, %slice3A_907 : vector<8x2048xf32>
      %reduce_min3A_909 = arith.constant dense<0x7F800000> : vector<2048xf32>
      %reduce_min3A_910 = vector.multi_reduction <minimumf>, %min3A_908, %reduce_min3A_909 [0] : vector<8x2048xf32> to vector<2048xf32>
      %broadcast_in_dim3A_911 = vector.shape_cast %reduce_min3A_910 : vector<2048xf32> to vector<1x2048xf32>
      %eq3A_912 = vector.broadcast %broadcast_in_dim3A_911 : vector<1x2048xf32> to vector<512x2048xf32>
      %eq3A_913 = arith.cmpf oeq, %select_n3A_890, %eq3A_912 : vector<512x2048xf32>
      %jit3A_914 = arith.constant 3.000000e+38 : f32
      %broadcast_in_dim3A_915 = vector.broadcast %jit3A_914 : f32 to vector<512x2048xf32>
      %select_n3A_916 = arith.select %eq3A_913, %broadcast_in_dim3A_915, %select_n3A_890 : vector<512x2048xi1>, vector<512x2048xf32>
      %slice3A_917 = vector.extract_strided_slice %select_n3A_916 {offsets = [0, 0], sizes = [256, 2048], strides = [1, 1]} : vector<512x2048xf32> to vector<256x2048xf32>
      %slice3A_918 = vector.extract_strided_slice %select_n3A_916 {offsets = [256, 0], sizes = [256, 2048], strides = [1, 1]} : vector<512x2048xf32> to vector<256x2048xf32>
      %min3A_919 = arith.minimumf %slice3A_917, %slice3A_918 : vector<256x2048xf32>
      %slice3A_920 = vector.extract_strided_slice %min3A_919 {offsets = [0, 0], sizes = [128, 2048], strides = [1, 1]} : vector<256x2048xf32> to vector<128x2048xf32>
      %slice3A_921 = vector.extract_strided_slice %min3A_919 {offsets = [128, 0], sizes = [128, 2048], strides = [1, 1]} : vector<256x2048xf32> to vector<128x2048xf32>
      %min3A_922 = arith.minimumf %slice3A_920, %slice3A_921 : vector<128x2048xf32>
      %slice3A_923 = vector.extract_strided_slice %min3A_922 {offsets = [0, 0], sizes = [64, 2048], strides = [1, 1]} : vector<128x2048xf32> to vector<64x2048xf32>
      %slice3A_924 = vector.extract_strided_slice %min3A_922 {offsets = [64, 0], sizes = [64, 2048], strides = [1, 1]} : vector<128x2048xf32> to vector<64x2048xf32>
      %min3A_925 = arith.minimumf %slice3A_923, %slice3A_924 : vector<64x2048xf32>
      %slice3A_926 = vector.extract_strided_slice %min3A_925 {offsets = [0, 0], sizes = [32, 2048], strides = [1, 1]} : vector<64x2048xf32> to vector<32x2048xf32>
      %slice3A_927 = vector.extract_strided_slice %min3A_925 {offsets = [32, 0], sizes = [32, 2048], strides = [1, 1]} : vector<64x2048xf32> to vector<32x2048xf32>
      %min3A_928 = arith.minimumf %slice3A_926, %slice3A_927 : vector<32x2048xf32>
      %slice3A_929 = vector.extract_strided_slice %min3A_928 {offsets = [0, 0], sizes = [16, 2048], strides = [1, 1]} : vector<32x2048xf32> to vector<16x2048xf32>
      %slice3A_930 = vector.extract_strided_slice %min3A_928 {offsets = [16, 0], sizes = [16, 2048], strides = [1, 1]} : vector<32x2048xf32> to vector<16x2048xf32>
      %min3A_931 = arith.minimumf %slice3A_929, %slice3A_930 : vector<16x2048xf32>
      %slice3A_932 = vector.extract_strided_slice %min3A_931 {offsets = [0, 0], sizes = [8, 2048], strides = [1, 1]} : vector<16x2048xf32> to vector<8x2048xf32>
      %slice3A_933 = vector.extract_strided_slice %min3A_931 {offsets = [8, 0], sizes = [8, 2048], strides = [1, 1]} : vector<16x2048xf32> to vector<8x2048xf32>
      %min3A_934 = arith.minimumf %slice3A_932, %slice3A_933 : vector<8x2048xf32>
      %reduce_min3A_935 = arith.constant dense<0x7F800000> : vector<2048xf32>
      %reduce_min3A_936 = vector.multi_reduction <minimumf>, %min3A_934, %reduce_min3A_935 [0] : vector<8x2048xf32> to vector<2048xf32>
      %broadcast_in_dim3A_937 = vector.shape_cast %reduce_min3A_936 : vector<2048xf32> to vector<1x2048xf32>
      %eq3A_938 = vector.broadcast %broadcast_in_dim3A_937 : vector<1x2048xf32> to vector<512x2048xf32>
      %eq3A_939 = arith.cmpf oeq, %select_n3A_916, %eq3A_938 : vector<512x2048xf32>
      %jit3A_940 = arith.constant 3.000000e+38 : f32
      %broadcast_in_dim3A_941 = vector.broadcast %jit3A_940 : f32 to vector<512x2048xf32>
      %select_n3A_942 = arith.select %eq3A_939, %broadcast_in_dim3A_941, %select_n3A_916 : vector<512x2048xi1>, vector<512x2048xf32>
      %slice3A_943 = vector.extract_strided_slice %select_n3A_942 {offsets = [0, 0], sizes = [256, 2048], strides = [1, 1]} : vector<512x2048xf32> to vector<256x2048xf32>
      %slice3A_944 = vector.extract_strided_slice %select_n3A_942 {offsets = [256, 0], sizes = [256, 2048], strides = [1, 1]} : vector<512x2048xf32> to vector<256x2048xf32>
      %min3A_945 = arith.minimumf %slice3A_943, %slice3A_944 : vector<256x2048xf32>
      %slice3A_946 = vector.extract_strided_slice %min3A_945 {offsets = [0, 0], sizes = [128, 2048], strides = [1, 1]} : vector<256x2048xf32> to vector<128x2048xf32>
      %slice3A_947 = vector.extract_strided_slice %min3A_945 {offsets = [128, 0], sizes = [128, 2048], strides = [1, 1]} : vector<256x2048xf32> to vector<128x2048xf32>
      %min3A_948 = arith.minimumf %slice3A_946, %slice3A_947 : vector<128x2048xf32>
      %slice3A_949 = vector.extract_strided_slice %min3A_948 {offsets = [0, 0], sizes = [64, 2048], strides = [1, 1]} : vector<128x2048xf32> to vector<64x2048xf32>
      %slice3A_950 = vector.extract_strided_slice %min3A_948 {offsets = [64, 0], sizes = [64, 2048], strides = [1, 1]} : vector<128x2048xf32> to vector<64x2048xf32>
      %min3A_951 = arith.minimumf %slice3A_949, %slice3A_950 : vector<64x2048xf32>
      %slice3A_952 = vector.extract_strided_slice %min3A_951 {offsets = [0, 0], sizes = [32, 2048], strides = [1, 1]} : vector<64x2048xf32> to vector<32x2048xf32>
      %slice3A_953 = vector.extract_strided_slice %min3A_951 {offsets = [32, 0], sizes = [32, 2048], strides = [1, 1]} : vector<64x2048xf32> to vector<32x2048xf32>
      %min3A_954 = arith.minimumf %slice3A_952, %slice3A_953 : vector<32x2048xf32>
      %slice3A_955 = vector.extract_strided_slice %min3A_954 {offsets = [0, 0], sizes = [16, 2048], strides = [1, 1]} : vector<32x2048xf32> to vector<16x2048xf32>
      %slice3A_956 = vector.extract_strided_slice %min3A_954 {offsets = [16, 0], sizes = [16, 2048], strides = [1, 1]} : vector<32x2048xf32> to vector<16x2048xf32>
      %min3A_957 = arith.minimumf %slice3A_955, %slice3A_956 : vector<16x2048xf32>
      %slice3A_958 = vector.extract_strided_slice %min3A_957 {offsets = [0, 0], sizes = [8, 2048], strides = [1, 1]} : vector<16x2048xf32> to vector<8x2048xf32>
      %slice3A_959 = vector.extract_strided_slice %min3A_957 {offsets = [8, 0], sizes = [8, 2048], strides = [1, 1]} : vector<16x2048xf32> to vector<8x2048xf32>
      %min3A_960 = arith.minimumf %slice3A_958, %slice3A_959 : vector<8x2048xf32>
      %reduce_min3A_961 = arith.constant dense<0x7F800000> : vector<2048xf32>
      %reduce_min3A_962 = vector.multi_reduction <minimumf>, %min3A_960, %reduce_min3A_961 [0] : vector<8x2048xf32> to vector<2048xf32>
      %broadcast_in_dim3A_963 = vector.shape_cast %reduce_min3A_962 : vector<2048xf32> to vector<1x2048xf32>
      %eq3A_964 = vector.broadcast %broadcast_in_dim3A_963 : vector<1x2048xf32> to vector<512x2048xf32>
      %eq3A_965 = arith.cmpf oeq, %select_n3A_942, %eq3A_964 : vector<512x2048xf32>
      %jit3A_966 = arith.constant 3.000000e+38 : f32
      %broadcast_in_dim3A_967 = vector.broadcast %jit3A_966 : f32 to vector<512x2048xf32>
      %select_n3A_968 = arith.select %eq3A_965, %broadcast_in_dim3A_967, %select_n3A_942 : vector<512x2048xi1>, vector<512x2048xf32>
      %slice3A_969 = vector.extract_strided_slice %select_n3A_968 {offsets = [0, 0], sizes = [256, 2048], strides = [1, 1]} : vector<512x2048xf32> to vector<256x2048xf32>
      %slice3A_970 = vector.extract_strided_slice %select_n3A_968 {offsets = [256, 0], sizes = [256, 2048], strides = [1, 1]} : vector<512x2048xf32> to vector<256x2048xf32>
      %min3A_971 = arith.minimumf %slice3A_969, %slice3A_970 : vector<256x2048xf32>
      %slice3A_972 = vector.extract_strided_slice %min3A_971 {offsets = [0, 0], sizes = [128, 2048], strides = [1, 1]} : vector<256x2048xf32> to vector<128x2048xf32>
      %slice3A_973 = vector.extract_strided_slice %min3A_971 {offsets = [128, 0], sizes = [128, 2048], strides = [1, 1]} : vector<256x2048xf32> to vector<128x2048xf32>
      %min3A_974 = arith.minimumf %slice3A_972, %slice3A_973 : vector<128x2048xf32>
      %slice3A_975 = vector.extract_strided_slice %min3A_974 {offsets = [0, 0], sizes = [64, 2048], strides = [1, 1]} : vector<128x2048xf32> to vector<64x2048xf32>
      %slice3A_976 = vector.extract_strided_slice %min3A_974 {offsets = [64, 0], sizes = [64, 2048], strides = [1, 1]} : vector<128x2048xf32> to vector<64x2048xf32>
      %min3A_977 = arith.minimumf %slice3A_975, %slice3A_976 : vector<64x2048xf32>
      %slice3A_978 = vector.extract_strided_slice %min3A_977 {offsets = [0, 0], sizes = [32, 2048], strides = [1, 1]} : vector<64x2048xf32> to vector<32x2048xf32>
      %slice3A_979 = vector.extract_strided_slice %min3A_977 {offsets = [32, 0], sizes = [32, 2048], strides = [1, 1]} : vector<64x2048xf32> to vector<32x2048xf32>
      %min3A_980 = arith.minimumf %slice3A_978, %slice3A_979 : vector<32x2048xf32>
      %slice3A_981 = vector.extract_strided_slice %min3A_980 {offsets = [0, 0], sizes = [16, 2048], strides = [1, 1]} : vector<32x2048xf32> to vector<16x2048xf32>
      %slice3A_982 = vector.extract_strided_slice %min3A_980 {offsets = [16, 0], sizes = [16, 2048], strides = [1, 1]} : vector<32x2048xf32> to vector<16x2048xf32>
      %min3A_983 = arith.minimumf %slice3A_981, %slice3A_982 : vector<16x2048xf32>
      %slice3A_984 = vector.extract_strided_slice %min3A_983 {offsets = [0, 0], sizes = [8, 2048], strides = [1, 1]} : vector<16x2048xf32> to vector<8x2048xf32>
      %slice3A_985 = vector.extract_strided_slice %min3A_983 {offsets = [8, 0], sizes = [8, 2048], strides = [1, 1]} : vector<16x2048xf32> to vector<8x2048xf32>
      %min3A_986 = arith.minimumf %slice3A_984, %slice3A_985 : vector<8x2048xf32>
      %reduce_min3A_987 = arith.constant dense<0x7F800000> : vector<2048xf32>
      %reduce_min3A_988 = vector.multi_reduction <minimumf>, %min3A_986, %reduce_min3A_987 [0] : vector<8x2048xf32> to vector<2048xf32>
      %broadcast_in_dim3A_989 = vector.shape_cast %reduce_min3A_988 : vector<2048xf32> to vector<1x2048xf32>
      %eq3A_990 = vector.broadcast %broadcast_in_dim3A_989 : vector<1x2048xf32> to vector<512x2048xf32>
      %eq3A_991 = arith.cmpf oeq, %select_n3A_968, %eq3A_990 : vector<512x2048xf32>
      %jit3A_992 = arith.constant 3.000000e+38 : f32
      %broadcast_in_dim3A_993 = vector.broadcast %jit3A_992 : f32 to vector<512x2048xf32>
      %select_n3A_994 = arith.select %eq3A_991, %broadcast_in_dim3A_993, %select_n3A_968 : vector<512x2048xi1>, vector<512x2048xf32>
      %slice3A_995 = vector.extract_strided_slice %select_n3A_994 {offsets = [0, 0], sizes = [256, 2048], strides = [1, 1]} : vector<512x2048xf32> to vector<256x2048xf32>
      %slice3A_996 = vector.extract_strided_slice %select_n3A_994 {offsets = [256, 0], sizes = [256, 2048], strides = [1, 1]} : vector<512x2048xf32> to vector<256x2048xf32>
      %min3A_997 = arith.minimumf %slice3A_995, %slice3A_996 : vector<256x2048xf32>
      %slice3A_998 = vector.extract_strided_slice %min3A_997 {offsets = [0, 0], sizes = [128, 2048], strides = [1, 1]} : vector<256x2048xf32> to vector<128x2048xf32>
      %slice3A_999 = vector.extract_strided_slice %min3A_997 {offsets = [128, 0], sizes = [128, 2048], strides = [1, 1]} : vector<256x2048xf32> to vector<128x2048xf32>
      %min3A_1000 = arith.minimumf %slice3A_998, %slice3A_999 : vector<128x2048xf32>
      %slice3A_1001 = vector.extract_strided_slice %min3A_1000 {offsets = [0, 0], sizes = [64, 2048], strides = [1, 1]} : vector<128x2048xf32> to vector<64x2048xf32>
      %slice3A_1002 = vector.extract_strided_slice %min3A_1000 {offsets = [64, 0], sizes = [64, 2048], strides = [1, 1]} : vector<128x2048xf32> to vector<64x2048xf32>
      %min3A_1003 = arith.minimumf %slice3A_1001, %slice3A_1002 : vector<64x2048xf32>
      %slice3A_1004 = vector.extract_strided_slice %min3A_1003 {offsets = [0, 0], sizes = [32, 2048], strides = [1, 1]} : vector<64x2048xf32> to vector<32x2048xf32>
      %slice3A_1005 = vector.extract_strided_slice %min3A_1003 {offsets = [32, 0], sizes = [32, 2048], strides = [1, 1]} : vector<64x2048xf32> to vector<32x2048xf32>
      %min3A_1006 = arith.minimumf %slice3A_1004, %slice3A_1005 : vector<32x2048xf32>
      %slice3A_1007 = vector.extract_strided_slice %min3A_1006 {offsets = [0, 0], sizes = [16, 2048], strides = [1, 1]} : vector<32x2048xf32> to vector<16x2048xf32>
      %slice3A_1008 = vector.extract_strided_slice %min3A_1006 {offsets = [16, 0], sizes = [16, 2048], strides = [1, 1]} : vector<32x2048xf32> to vector<16x2048xf32>
      %min3A_1009 = arith.minimumf %slice3A_1007, %slice3A_1008 : vector<16x2048xf32>
      %slice3A_1010 = vector.extract_strided_slice %min3A_1009 {offsets = [0, 0], sizes = [8, 2048], strides = [1, 1]} : vector<16x2048xf32> to vector<8x2048xf32>
      %slice3A_1011 = vector.extract_strided_slice %min3A_1009 {offsets = [8, 0], sizes = [8, 2048], strides = [1, 1]} : vector<16x2048xf32> to vector<8x2048xf32>
      %min3A_1012 = arith.minimumf %slice3A_1010, %slice3A_1011 : vector<8x2048xf32>
      %reduce_min3A_1013 = arith.constant dense<0x7F800000> : vector<2048xf32>
      %reduce_min3A_1014 = vector.multi_reduction <minimumf>, %min3A_1012, %reduce_min3A_1013 [0] : vector<8x2048xf32> to vector<2048xf32>
      %broadcast_in_dim3A_1015 = vector.shape_cast %reduce_min3A_1014 : vector<2048xf32> to vector<1x2048xf32>
      %eq3A_1016 = vector.broadcast %broadcast_in_dim3A_1015 : vector<1x2048xf32> to vector<512x2048xf32>
      %eq3A_1017 = arith.cmpf oeq, %select_n3A_994, %eq3A_1016 : vector<512x2048xf32>
      %jit3A_1018 = arith.constant 3.000000e+38 : f32
      %broadcast_in_dim3A_1019 = vector.broadcast %jit3A_1018 : f32 to vector<512x2048xf32>
      %select_n3A_1020 = arith.select %eq3A_1017, %broadcast_in_dim3A_1019, %select_n3A_994 : vector<512x2048xi1>, vector<512x2048xf32>
      %slice3A_1021 = vector.extract_strided_slice %select_n3A_1020 {offsets = [0, 0], sizes = [256, 2048], strides = [1, 1]} : vector<512x2048xf32> to vector<256x2048xf32>
      %slice3A_1022 = vector.extract_strided_slice %select_n3A_1020 {offsets = [256, 0], sizes = [256, 2048], strides = [1, 1]} : vector<512x2048xf32> to vector<256x2048xf32>
      %min3A_1023 = arith.minimumf %slice3A_1021, %slice3A_1022 : vector<256x2048xf32>
      %slice3A_1024 = vector.extract_strided_slice %min3A_1023 {offsets = [0, 0], sizes = [128, 2048], strides = [1, 1]} : vector<256x2048xf32> to vector<128x2048xf32>
      %slice3A_1025 = vector.extract_strided_slice %min3A_1023 {offsets = [128, 0], sizes = [128, 2048], strides = [1, 1]} : vector<256x2048xf32> to vector<128x2048xf32>
      %min3A_1026 = arith.minimumf %slice3A_1024, %slice3A_1025 : vector<128x2048xf32>
      %slice3A_1027 = vector.extract_strided_slice %min3A_1026 {offsets = [0, 0], sizes = [64, 2048], strides = [1, 1]} : vector<128x2048xf32> to vector<64x2048xf32>
      %slice3A_1028 = vector.extract_strided_slice %min3A_1026 {offsets = [64, 0], sizes = [64, 2048], strides = [1, 1]} : vector<128x2048xf32> to vector<64x2048xf32>
      %min3A_1029 = arith.minimumf %slice3A_1027, %slice3A_1028 : vector<64x2048xf32>
      %slice3A_1030 = vector.extract_strided_slice %min3A_1029 {offsets = [0, 0], sizes = [32, 2048], strides = [1, 1]} : vector<64x2048xf32> to vector<32x2048xf32>
      %slice3A_1031 = vector.extract_strided_slice %min3A_1029 {offsets = [32, 0], sizes = [32, 2048], strides = [1, 1]} : vector<64x2048xf32> to vector<32x2048xf32>
      %min3A_1032 = arith.minimumf %slice3A_1030, %slice3A_1031 : vector<32x2048xf32>
      %slice3A_1033 = vector.extract_strided_slice %min3A_1032 {offsets = [0, 0], sizes = [16, 2048], strides = [1, 1]} : vector<32x2048xf32> to vector<16x2048xf32>
      %slice3A_1034 = vector.extract_strided_slice %min3A_1032 {offsets = [16, 0], sizes = [16, 2048], strides = [1, 1]} : vector<32x2048xf32> to vector<16x2048xf32>
      %min3A_1035 = arith.minimumf %slice3A_1033, %slice3A_1034 : vector<16x2048xf32>
      %slice3A_1036 = vector.extract_strided_slice %min3A_1035 {offsets = [0, 0], sizes = [8, 2048], strides = [1, 1]} : vector<16x2048xf32> to vector<8x2048xf32>
      %slice3A_1037 = vector.extract_strided_slice %min3A_1035 {offsets = [8, 0], sizes = [8, 2048], strides = [1, 1]} : vector<16x2048xf32> to vector<8x2048xf32>
      %min3A_1038 = arith.minimumf %slice3A_1036, %slice3A_1037 : vector<8x2048xf32>
      %reduce_min3A_1039 = arith.constant dense<0x7F800000> : vector<2048xf32>
      %reduce_min3A_1040 = vector.multi_reduction <minimumf>, %min3A_1038, %reduce_min3A_1039 [0] : vector<8x2048xf32> to vector<2048xf32>
      %broadcast_in_dim3A_1041 = vector.shape_cast %reduce_min3A_1040 : vector<2048xf32> to vector<1x2048xf32>
      %concatenate3A = tpu.concatenate %broadcast_in_dim3A_235, %broadcast_in_dim3A_261, %broadcast_in_dim3A_287, %broadcast_in_dim3A_313, %broadcast_in_dim3A_339, %broadcast_in_dim3A_365, %broadcast_in_dim3A_391, %broadcast_in_dim3A_417, %broadcast_in_dim3A_443, %broadcast_in_dim3A_469, %broadcast_in_dim3A_495, %broadcast_in_dim3A_521, %broadcast_in_dim3A_547, %broadcast_in_dim3A_573, %broadcast_in_dim3A_599, %broadcast_in_dim3A_625, %broadcast_in_dim3A_651, %broadcast_in_dim3A_677, %broadcast_in_dim3A_703, %broadcast_in_dim3A_729, %broadcast_in_dim3A_755, %broadcast_in_dim3A_781, %broadcast_in_dim3A_807, %broadcast_in_dim3A_833, %broadcast_in_dim3A_859, %broadcast_in_dim3A_885, %broadcast_in_dim3A_911, %broadcast_in_dim3A_937, %broadcast_in_dim3A_963, %broadcast_in_dim3A_989, %broadcast_in_dim3A_1015, %broadcast_in_dim3A_1041 in 0 : vector<1x2048xf32>, vector<1x2048xf32>, vector<1x2048xf32>, vector<1x2048xf32>, vector<1x2048xf32>, vector<1x2048xf32>, vector<1x2048xf32>, vector<1x2048xf32>, vector<1x2048xf32>, vector<1x2048xf32>, vector<1x2048xf32>, vector<1x2048xf32>, vector<1x2048xf32>, vector<1x2048xf32>, vector<1x2048xf32>, vector<1x2048xf32>, vector<1x2048xf32>, vector<1x2048xf32>, vector<1x2048xf32>, vector<1x2048xf32>, vector<1x2048xf32>, vector<1x2048xf32>, vector<1x2048xf32>, vector<1x2048xf32>, vector<1x2048xf32>, vector<1x2048xf32>, vector<1x2048xf32>, vector<1x2048xf32>, vector<1x2048xf32>, vector<1x2048xf32>, vector<1x2048xf32>, vector<1x2048xf32> -> vector<32x2048xf32>
      %max3A = arith.constant 0.000000e+00 : f32
      %max3A_1042 = vector.broadcast %max3A : f32 to vector<32x2048xf32>
      %max3A_1043 = arith.maximumf %concatenate3A, %max3A_1042 : vector<32x2048xf32>
      %add3A_1044 = arith.constant 9.99999993E-9 : f32
      %add3A_1045 = vector.broadcast %add3A_1044 : f32 to vector<32x2048xf32>
      %add3A_1046 = arith.addf %max3A_1043, %add3A_1045 : vector<32x2048xf32>
      %sqrt3A = math.sqrt %add3A_1046 : vector<32x2048xf32>
      %swap3A_1047 = arith.constant 0 : index
      %swap3A_1048 = arith.constant 0 : index
      %swap3A_1049 = vector.load %arg4[%swap3A_1047, %swap3A_1048] : memref<32x2048xf32, #tpu.memory_space<vmem>>, vector<32x2048xf32>
      tpu.vector_store %arg4[%swap3A_1047, %swap3A_1048], %sqrt3A {strides = array<i32>} : memref<32x2048xf32, #tpu.memory_space<vmem>>, vector<32x2048xf32>,
      %broadcast_in_dim3A_1050 = vector.shape_cast %select_n3A_215 : vector<1x2048xi32> to vector<1x2048xi32>
      %broadcast_in_dim3A_1051 = vector.broadcast %broadcast_in_dim3A_1050 : vector<1x2048xi32> to vector<8x2048xi32>
      %swap3A_1052 = arith.constant 0 : index
      %swap3A_1053 = arith.constant 0 : index
      %swap3A_1054 = vector.load %arg5[%swap3A_1052, %swap3A_1053] : memref<8x2048xi32, #tpu.memory_space<vmem>>, vector<8x2048xi32>
      tpu.vector_store %arg5[%swap3A_1052, %swap3A_1053], %broadcast_in_dim3A_1051 {strides = array<i32>} : memref<8x2048xi32, #tpu.memory_space<vmem>>, vector<8x2048xi32>,
    } else {
    }
    return
  }
  func.func @transform_0(%arg0: i32, %arg1: i32) -> (i32, i32) {
    %c0_i32 = arith.constant 0 : i32
    %c0_i32_0 = arith.constant 0 : i32
    return %c0_i32, %arg0 : i32, i32
  }
  func.func @transform_1(%arg0: i32, %arg1: i32) -> (i32, i32) {
    %c0_i32 = arith.constant 0 : i32
    %c0_i32_0 = arith.constant 0 : i32
    return %arg1, %c0_i32 : i32, i32
  }
  func.func @transform_2(%arg0: i32, %arg1: i32) -> (i32, i32) {
    %c0_i32 = arith.constant 0 : i32
    %c0_i32_0 = arith.constant 0 : i32
    return %c0_i32, %arg0 : i32, i32
  }
  func.func @transform_3(%arg0: i32, %arg1: i32) -> (i32, i32) {
    %c0_i32 = arith.constant 0 : i32
    %c0_i32_0 = arith.constant 0 : i32
    return %c0_i32, %arg0 : i32, i32
  }
}

module attributes {stable_mosaic.version = 14 : i64} {
  func.func @_epilogue_body(%arg0: memref<4096x64xf32, #tpu.memory_space<vmem>>, %arg1: memref<4096x128xf32, #tpu.memory_space<vmem>>, %arg2: memref<4096x1xi32, #tpu.memory_space<vmem>>, %arg3: memref<4096x32xf32, #tpu.memory_space<vmem>>, %arg4: memref<1x1xf32, #tpu.memory_space<vmem>>, %arg5: memref<1x1xf32, #tpu.memory_space<vmem>>, %arg6: memref<4096x64xf32, #tpu.memory_space<vmem>>, %arg7: memref<4096x64xf32, #tpu.memory_space<vmem>>) attributes {dimension_semantics = [], scalar_prefetch = 0 : i64, scratch_operands = 0 : i64, tpu.core_type = #tpu.core_type<tc>} {
    %get3A = arith.constant 0 : index
    %get3A_0 = arith.constant 0 : index
    %get3A_1 = vector.load %arg0[%get3A, %get3A_0] : memref<4096x64xf32, #tpu.memory_space<vmem>>, vector<4096x64xf32>
    %get3A_2 = arith.constant 0 : index
    %get3A_3 = arith.constant 0 : index
    %get3A_4 = vector.load %arg1[%get3A_2, %get3A_3] : memref<4096x128xf32, #tpu.memory_space<vmem>>, vector<4096x128xf32>
    %get3A_5 = arith.constant 0 : index
    %get3A_6 = arith.constant 0 : index
    %get3A_7 = vector.load %arg2[%get3A_5, %get3A_6] : memref<4096x1xi32, #tpu.memory_space<vmem>>, vector<4096x1xi32>
    %eq3A = arith.constant 0 : i32
    %eq3A_8 = vector.broadcast %eq3A : i32 to vector<4096x1xi32>
    %eq3A_9 = arith.cmpi eq, %get3A_7, %eq3A_8 : vector<4096x1xi32>
    %slice3A = vector.extract_strided_slice %get3A_4 {offsets = [0, 0], sizes = [4096, 64], strides = [1, 1]} : vector<4096x128xf32> to vector<4096x64xf32>
    %slice3A_10 = vector.extract_strided_slice %get3A_4 {offsets = [0, 64], sizes = [4096, 64], strides = [1, 1]} : vector<4096x128xf32> to vector<4096x64xf32>
    %broadcast_in_dim3A = vector.shape_cast %eq3A_9 : vector<4096x1xi1> to vector<4096x1xi1>
    %broadcast_in_dim3A_11 = vector.broadcast %broadcast_in_dim3A : vector<4096x1xi1> to vector<4096x64xi1>
    %select_n3A = arith.select %broadcast_in_dim3A_11, %slice3A, %slice3A_10 : vector<4096x64xi1>, vector<4096x64xf32>
    %get3A_12 = arith.constant 0 : index
    %get3A_13 = arith.constant 0 : index
    %get3A_14 = vector.load %arg3[%get3A_12, %get3A_13] : memref<4096x32xf32, #tpu.memory_space<vmem>>, vector<4096x32xf32>
    %slice3A_15 = vector.extract_strided_slice %get3A_14 {offsets = [0, 0], sizes = [4096, 1], strides = [1, 1]} : vector<4096x32xf32> to vector<4096x1xf32>
    %sub3A = arith.subf %get3A_1, %select_n3A : vector<4096x64xf32>
    %add3A = arith.constant 9.99999993E-9 : f32
    %add3A_16 = vector.broadcast %add3A : f32 to vector<4096x1xf32>
    %add3A_17 = arith.addf %slice3A_15, %add3A_16 : vector<4096x1xf32>
    %div3A = vector.broadcast %add3A_17 : vector<4096x1xf32> to vector<4096x64xf32>
    %div3A_18 = arith.divf %sub3A, %div3A : vector<4096x64xf32>
    %abs3A = math.absf %div3A_18 : vector<4096x64xf32>
    %swap3A = arith.constant 0 : index
    %swap3A_19 = arith.constant 0 : index
    %swap3A_20 = vector.load %arg6[%swap3A, %swap3A_19] : memref<4096x64xf32, #tpu.memory_space<vmem>>, vector<4096x64xf32>
    tpu.vector_store %arg6[%swap3A, %swap3A_19], %abs3A {strides = array<i32>} : memref<4096x64xf32, #tpu.memory_space<vmem>>, vector<4096x64xf32>,
    %reduce_min3A = arith.constant dense<0x7F800000> : vector<4096xf32>
    %reduce_min3A_21 = vector.multi_reduction <minimumf>, %abs3A, %reduce_min3A [1] : vector<4096x64xf32> to vector<4096xf32>
    %broadcast_in_dim3A_22 = vector.shape_cast %reduce_min3A_21 : vector<4096xf32> to vector<4096x1xf32>
    %reduce_max3A = arith.constant dense<0xFF800000> : vector<4096xf32>
    %reduce_max3A_23 = vector.multi_reduction <maximumf>, %abs3A, %reduce_max3A [1] : vector<4096x64xf32> to vector<4096xf32>
    %broadcast_in_dim3A_24 = vector.shape_cast %reduce_max3A_23 : vector<4096xf32> to vector<4096x1xf32>
    %sub3A_25 = vector.broadcast %broadcast_in_dim3A_22 : vector<4096x1xf32> to vector<4096x64xf32>
    %sub3A_26 = arith.subf %abs3A, %sub3A_25 : vector<4096x64xf32>
    %sub3A_27 = arith.subf %broadcast_in_dim3A_24, %broadcast_in_dim3A_22 : vector<4096x1xf32>
    %add3A_28 = arith.constant 9.99999993E-9 : f32
    %add3A_29 = vector.broadcast %add3A_28 : f32 to vector<4096x1xf32>
    %add3A_30 = arith.addf %sub3A_27, %add3A_29 : vector<4096x1xf32>
    %div3A_31 = vector.broadcast %add3A_30 : vector<4096x1xf32> to vector<4096x64xf32>
    %div3A_32 = arith.divf %sub3A_26, %div3A_31 : vector<4096x64xf32>
    %reduce_sum3A = arith.constant dense<0.000000e+00> : vector<4096xf32>
    %reduce_sum3A_33 = vector.multi_reduction <add>, %get3A_14, %reduce_sum3A [1] : vector<4096x32xf32> to vector<4096xf32>
    %broadcast_in_dim3A_34 = vector.shape_cast %reduce_sum3A_33 : vector<4096xf32> to vector<4096x1xf32>
    %div3A_35 = arith.constant 3.200000e+01 : f32
    %div3A_36 = vector.broadcast %div3A_35 : f32 to vector<4096x1xf32>
    %div3A_37 = arith.divf %broadcast_in_dim3A_34, %div3A_36 : vector<4096x1xf32>
    %reduce_min3A_38 = vector.shape_cast %div3A_37 : vector<4096x1xf32> to vector<1x4096x1xf32>
    %reduce_min3A_39 = arith.constant dense<0x7F800000> : vector<1xf32>
    %reduce_min3A_40 = vector.multi_reduction <minimumf>, %reduce_min3A_38, %reduce_min3A_39 [1, 2] : vector<1x4096x1xf32> to vector<1xf32>
    %reduce_min3A_41 = vector.shape_cast %reduce_min3A_40 : vector<1xf32> to vector<1x1x1xf32>
    %reduce_min3A_42 = vector.extract %reduce_min3A_41[0, 0, 0] : f32 from vector<1x1x1xf32>
    %reduce_max3A_43 = vector.shape_cast %div3A_37 : vector<4096x1xf32> to vector<1x4096x1xf32>
    %reduce_max3A_44 = arith.constant dense<0xFF800000> : vector<1xf32>
    %reduce_max3A_45 = vector.multi_reduction <maximumf>, %reduce_max3A_43, %reduce_max3A_44 [1, 2] : vector<1x4096x1xf32> to vector<1xf32>
    %reduce_max3A_46 = vector.shape_cast %reduce_max3A_45 : vector<1xf32> to vector<1x1x1xf32>
    %reduce_max3A_47 = vector.extract %reduce_max3A_46[0, 0, 0] : f32 from vector<1x1x1xf32>
    %sub3A_48 = vector.broadcast %reduce_min3A_42 : f32 to vector<4096x1xf32>
    %sub3A_49 = arith.subf %div3A_37, %sub3A_48 : vector<4096x1xf32>
    %sub3A_50 = arith.subf %reduce_max3A_47, %reduce_min3A_42 : f32
    %add3A_51 = arith.constant 9.99999993E-9 : f32
    %add3A_52 = arith.addf %sub3A_50, %add3A_51 : f32
    %div3A_53 = vector.broadcast %add3A_52 : f32 to vector<4096x1xf32>
    %div3A_54 = arith.divf %sub3A_49, %div3A_53 : vector<4096x1xf32>
    %get3A_55 = arith.constant 0 : index
    %get3A_56 = arith.constant 0 : index
    %get3A_57 = vector.load %arg4[%get3A_55, %get3A_56] : memref<1x1xf32, #tpu.memory_space<vmem>>, vector<1x1xf32>
    %get3A_58 = vector.extract %get3A_57[0, 0] : f32 from vector<1x1xf32>
    %mul3A = vector.broadcast %get3A_58 : f32 to vector<4096x64xf32>
    %mul3A_59 = arith.mulf %mul3A, %div3A_32 : vector<4096x64xf32>
    %get3A_60 = arith.constant 0 : index
    %get3A_61 = arith.constant 0 : index
    %get3A_62 = vector.load %arg5[%get3A_60, %get3A_61] : memref<1x1xf32, #tpu.memory_space<vmem>>, vector<1x1xf32>
    %get3A_63 = vector.extract %get3A_62[0, 0] : f32 from vector<1x1xf32>
    %mul3A_64 = vector.broadcast %get3A_63 : f32 to vector<4096x1xf32>
    %mul3A_65 = arith.mulf %mul3A_64, %div3A_54 : vector<4096x1xf32>
    %add3A_66 = vector.broadcast %mul3A_65 : vector<4096x1xf32> to vector<4096x64xf32>
    %add3A_67 = arith.addf %mul3A_59, %add3A_66 : vector<4096x64xf32>
    %sub3A_68 = arith.constant 5.000000e-01 : f32
    %sub3A_69 = vector.broadcast %sub3A_68 : f32 to vector<4096x64xf32>
    %sub3A_70 = arith.subf %sub3A_69, %add3A_67 : vector<4096x64xf32>
    %exp3A = math.exp %sub3A_70 : vector<4096x64xf32>
    %add3A_71 = arith.constant 1.000000e+00 : f32
    %add3A_72 = vector.broadcast %add3A_71 : f32 to vector<4096x64xf32>
    %add3A_73 = arith.addf %add3A_72, %exp3A : vector<4096x64xf32>
    %div3A_74 = arith.constant 1.000000e+00 : f32
    %div3A_75 = vector.broadcast %div3A_74 : f32 to vector<4096x64xf32>
    %div3A_76 = arith.divf %div3A_75, %add3A_73 : vector<4096x64xf32>
    %mul3A_77 = arith.constant 4.900000e-01 : f32
    %mul3A_78 = vector.broadcast %mul3A_77 : f32 to vector<4096x64xf32>
    %mul3A_79 = arith.mulf %mul3A_78, %div3A_76 : vector<4096x64xf32>
    %add3A_80 = arith.constant 0.00999999977 : f32
    %add3A_81 = vector.broadcast %add3A_80 : f32 to vector<4096x64xf32>
    %add3A_82 = arith.addf %add3A_81, %mul3A_79 : vector<4096x64xf32>
    %swap3A_83 = arith.constant 0 : index
    %swap3A_84 = arith.constant 0 : index
    %swap3A_85 = vector.load %arg7[%swap3A_83, %swap3A_84] : memref<4096x64xf32, #tpu.memory_space<vmem>>, vector<4096x64xf32>
    tpu.vector_store %arg7[%swap3A_83, %swap3A_84], %add3A_82 {strides = array<i32>} : memref<4096x64xf32, #tpu.memory_space<vmem>>, vector<4096x64xf32>,
    return
  }
}

</mosaic_0001>

<sc_bundles>
// kernel: kernel.5.cloned.1.call-start
scs
__scs_entry_jumppad:
0x0: {  	(pc) =	sbr.rel $0x88, $3  }
0x1: {  	(tag) =	ssettag $0x0;
	lr =	simm.s32 $0x1  }
0x2: {  	[smem:$0x3F9D] =	sst lr;
	_ =	strace $0xD0000000  }
0x3: {  	_ = 	snop  }
0x4: {  	_ = 	snop  }
0x5: {  	_ = 	snop  }
0x6: {  	_ = 	snop  }
0x7: {  	_ = 	snop  }
__scs_overlays_trampoline_lowered:
0x8: {  	[smem:$0x3FAC] =	sst s0  }
0x9: {  	[smem:$0x3FAD] =	sst s1  }
0xa: {  	[smem:$0x3FAE] =	sst s2  }
0xb: {  	[smem:$0x3FAF] =	sst s3  }
0xc: {  	[smem:$0x3FB0] =	sst s4  }
0xd: {  	[smem:$0x3FB1] =	sst s5  }
0xe: {  	[smem:$0x3FB2] =	sst s6  }
0xf: {  	[smem:$0x3FB3] =	sst s7  }
0x10: {  	[smem:$0x3FB4] =	sst s8  }
0x11: {  	[smem:$0x3FB5] =	sst s9;
	s0 =	simm.s32 @!p0 $0x0  }
0x12: {  	s1 =	sld [smem:$0x3F9B];
	s0 =	simm.s32 @p0 $0x1  }
0x13: {  	[smem:$0x3FB6] =	sst s0;
	s0 =	simm.s32 @!p1 $0x0  }
0x14: {  	s2 =	sld [smem:$0x3F9A];
	s0 =	simm.s32 @p1 $0x1  }
0x15: {  	[smem:$0x3FB7] =	sst s0;
	s0 =	simm.s32 @!p2 $0x0  }
0x16: {  	s3 =	sld [smem:$0x3FDB];
	s0 =	simm.s32 @p2 $0x1  }
0x17: {  	s4 =	simm.s32 $0x1BF5;
	[smem:$0x3FB9] =	sst s0  }
0x18: {  	s0 =	sld [smem:$0x3F9C];
	_ =	swait.ge [sflag:s4], $0x0  }
0x19: {  	s7 =	sld [smem:$0x3F9D]  }
0x1a: {  	s8 =	sadd.s32 $0xFFFFE003, lr  }
0x1b: {  	s9 =	sadd.s32 $0xFFFFFEF7, lr;
	s5 =	simm.s32 $0xFFFFFFFF;
	p2 =	slt.u32 s8, $0xFFFFF086  }
0x1c: {  	p1 =	slt.u32 s9, $0xF7A;
	s5 =	simm.s32 @!p2 $0x0  }
0x1d: {  	s5 =	simm.s32 @p1 $0x1;
	p0 =	seq.s32 s7, s2  }
0x1e: {  	s7 =	smul.u32 @!p0 $0xF7A, s2;
	p2 =	seq.s32 @!p0 s5, $0x0  }
0x1f: {  	s9 =	smul.u32 $0xF7A, s1;
	s8 =	simm.s32 @!p0 $0x1BF5;
	p2 =	por !p2, p0  }
0x20: {  	[sflag:s8] =	ssyncset.s32 @!p0 $0xFFFFF086;
	s6 =	sadd.s32 @!p0 s3, s7;
	s7 =	simm.s32 @!p0 $0x108  }
0x21: {  	s3 =	sadd.s32 s3, s9;
	s6 =	sadd.s32 @!p0 $0x88, s6;
	s7 =	simm.s32 @p2 $0x1082  }
0x22: {  	[simem:s7], [sflag:s8] =	dma.local @!p0 [hbm:s6], $0xF7A  }
0x23: {  	s9 =	sor.u32 $0xD0000000, s2;
	s6 =	simm.s32 $0x108;
	_ =	swait.ge @!p0 [sflag:s8], $0x0  }
0x24: {  	s3 =	sadd.s32 $0x88, s3;
	s6 =	simm.s32 @!p1 $0x1082;
	[sflag:s4] =	ssyncset.s32 $0xFFFFF086  }
0x25: {  	[simem:s6], [sflag:s4] =	dma.local [hbm:s3], $0xF7A  }
0x26: {  	[smem:$0x3F9D] =	sst s1;
	(tag) =	ssettag s2;
	_ =	strace s9  }
0x27: {  	s1 =	sld [smem:$0x3FAD]  }
0x28: {  	s2 =	sld [smem:$0x3FAE]  }
0x29: {  	s4 =	sld [smem:$0x3FB0]  }
0x2a: {  	p0 =	seq.s32 s5, $0x0;
	s5 =	sld [smem:$0x3FB1]  }
0x2b: {  	s6 =	sld [smem:$0x3FB2]  }
0x2c: {  	s7 =	sld [smem:$0x3FB3]  }
0x2d: {  	s3 =	simm.s32 $0x108;
	s8 =	sld [smem:$0x3FB4]  }
0x2e: {  	s3 =	simm.s32 @!p0 $0x1082;
	s9 =	sld [smem:$0x3FB5]  }
0x2f: {  	lr =	sadd.s32 s0, s3;
	s0 =	sld [smem:$0x3FAC]  }
0x30: {  	s3 =	sld [smem:$0x3FAF]  }
0x31: {  	[smem:$0x3FB8] =	sst s10  }
0x32: {  	s10 =	sld [smem:$0x3FB6];
	_ =	sdelay $0x3  }
0x33: {  	p0 =	seq.s32 s10, $0x1;
	s10 =	sld [smem:$0x3FB8];
	_ =	sdelay $0x3  }
0x34: {  	[smem:$0x3FB8] =	sst s10  }
0x35: {  	s10 =	sld [smem:$0x3FB7];
	_ =	sdelay $0x3  }
0x36: {  	p1 =	seq.s32 s10, $0x1;
	s10 =	sld [smem:$0x3FB8];
	_ =	sdelay $0x3  }
0x37: {  	[smem:$0x3FB8] =	sst s10  }
0x38: {  	s10 =	sld [smem:$0x3FB9]  }
0x39: {  	_ = 	snop;
	(pc) =	sbr.ind lr, $3  }
0x3a: {  	_ = 	snop  }
0x3b: {  	_ = 	snop  }
0x3c: {  	p2 =	seq.s32 s10, $0x1;
	s10 =	sld [smem:$0x3FB8]  }
0x3d: {  	_ =	shalt  }
0x3e: {  	_ =	shalt  }
0x3f: {  	_ =	shalt  }
0x40: {  	_ =	shalt  }
0x41: {  	_ =	shalt  }
0x42: {  	_ =	shalt  }
0x43: {  	_ =	shalt  }
0x44: {  	_ =	shalt  }
0x45: {  	_ =	shalt  }
0x46: {  	_ =	shalt  }
0x47: {  	_ =	shalt  }
0x48: {  	_ =	shalt  }
0x49: {  	_ =	shalt  }
0x4a: {  	_ =	shalt  }
0x4b: {  	_ =	shalt  }
0x4c: {  	_ =	shalt  }
0x4d: {  	_ =	shalt  }
0x4e: {  	_ =	shalt  }
0x4f: {  	_ =	shalt  }
0x50: {  	_ =	shalt  }
0x51: {  	_ =	shalt  }
0x52: {  	_ =	shalt  }
0x53: {  	_ =	shalt  }
0x54: {  	_ =	shalt  }
0x55: {  	_ =	shalt  }
0x56: {  	_ =	shalt  }
0x57: {  	_ =	shalt  }
0x58: {  	_ =	shalt  }
0x59: {  	_ =	shalt  }
0x5a: {  	_ =	shalt  }
0x5b: {  	_ =	shalt  }
0x5c: {  	_ =	shalt  }
0x5d: {  	_ =	shalt  }
0x5e: {  	_ =	shalt  }
0x5f: {  	_ =	shalt  }
0x60: {  	_ =	shalt  }
0x61: {  	_ =	shalt  }
0x62: {  	_ =	shalt  }
0x63: {  	_ =	shalt  }
0x64: {  	_ =	shalt  }
0x65: {  	_ =	shalt  }
0x66: {  	_ =	shalt  }
0x67: {  	_ =	shalt  }
0x68: {  	_ =	shalt  }
0x69: {  	_ =	shalt  }
0x6a: {  	_ =	shalt  }
0x6b: {  	_ =	shalt  }
0x6c: {  	_ =	shalt  }
0x6d: {  	_ =	shalt  }
0x6e: {  	_ =	shalt  }
0x6f: {  	_ =	shalt  }
0x70: {  	_ =	shalt  }
0x71: {  	_ =	shalt  }
0x72: {  	_ =	shalt  }
0x73: {  	_ =	shalt  }
0x74: {  	_ =	shalt  }
0x75: {  	_ =	shalt  }
0x76: {  	_ =	shalt  }
0x77: {  	_ =	shalt  }
0x78: {  	_ =	shalt  }
0x79: {  	_ =	shalt  }
0x7a: {  	_ =	shalt  }
0x7b: {  	_ =	shalt  }
0x7c: {  	_ =	shalt  }
0x7d: {  	_ =	shalt  }
0x7e: {  	_ =	shalt  }
0x7f: {  	_ =	shalt  }
0x80: {  	_ =	shalt  }
0x81: {  	_ =	shalt  }
0x82: {  	_ =	shalt  }
0x83: {  	_ =	shalt  }
0x84: {  	_ =	shalt  }
0x85: {  	_ =	shalt  }
0x86: {  	_ =	shalt  }
0x87: {  	_ =	shalt  }
.Lfunc_end0:
.L_simem_size_0:
called_computation_lowered:
.L_overlay_start_0:
0x88: {  	s2 =	sld [smem:$0x3FD9]  }
0x89: {  	s3 =	sld [smem:$0x3FFE];
	_ =	sdelay $0x1  }
0x8a: {  	s1 =	srdreg.scid  }
0x8b: {  	s0 =	sand.u32 $0x1, s1  }
0x8c: {  	s14 =	sshll.u32 s0, $0xA;
	s2 =	sadd.s32 s3, s2  }
0x8d: {  	s2 =	sadd.s32 s2, s14  }
0x8e: {  	[smem:$0x3FC4] =	sst s2  }
0x8f: {  	_ = 	snop  }
0x90: {  	s2 =	sld [smem:$0x3FD0];
	_ =	sdelay $0x2  }
0x91: {  	s15 =	simm.s32 $0xA;
	s4 =	simm.s32 $0x10  }
0x92: {  	[smem:s4], [sflag:s15] =	dma.local [hbm:s2], $0x1  }
0x93: {  	_ =	swait.eq [sflag:s15], $0x1  }
0x94: {  	[sflag:s15] =	ssyncset.done $0x0  }
0x95: {  	[sflag:s15] =	ssyncadd.s32 $0xFFFFFFFF  }
0x96: {  	s16 =	sld [smem:$0x11];
	(tm) =	ssettm $0x1  }
0x97: {  	s17 =	sld [smem:$0x3FFB];
	_ =	sdelay $0x3  }
0x98: {  	_ =	strace s17  }
0x99: {  	s3 =	sld [smem:$0x3FFC];
	_ =	sdelay $0x3  }
0x9a: {  	_ =	strace s3  }
0x9b: {  	s3 =	sld [smem:$0x3FFD];
	_ =	sdelay $0x3  }
0x9c: {  	_ =	strace s3  }
0x9d: {  	_ =	strace $0x8FFFFFFF  }
0x9e: {  	s18 =	sld [smem:$0x3FDB];
	_ =	sdelay $0x1  }
0x9f: {  	s19 =	simm.s32 $_scs_section_size  }
0xa0: {  	s5 =	simm.s32 $_size__tile_overlayer_lowered;
	s6 =	simm.s32 $_tile_overlayer_lowered  }
0xa1: {  	s22 =	simm.s32 $0x1BFF;
	s21 =	sshll.u32 s6, $0x1;
	s3 =	sadd.s32 s19, s18  }
0xa2: {  	s7 =	simm.s32 $0x0;
	s20 =	sshll.u32 s5, $0x1;
	s5 =	sadd.s32 s21, s3  }
0xa3: {  	[timem:s7], [sflag:s22] =	dma.local [hbm:s5], s20  }
0xa4: {  	_ =	swait.ge [sflag:s22], s20  }
0xa5: {  	s4 =	ssub.s32 $0x0, s20;
	[sflag:s22] =	ssyncset.done $0x0  }
0xa6: {  	[sflag:s22] =	ssyncadd.s32 s4;
	_ =	sdelay $0x1  }
0xa7: {  	s23 =	simm.s32 $0x1B8B  }
0xa8: {  	_ =	swait.ge [sflag:s23], $0x1  }
0xa9: {  	[sflag:s23] =	ssyncset.done $0x0  }
0xaa: {  	s25 =	simm.s32 $0x1B8E;
	s24 =	sld [smem:$0x3FFE];
	[sflag:s23] =	ssyncadd.s32 $0xFFFFFFFF  }
0xab: {  	s26 =	simm.s32 $execute0_lowered;
	[smem:$0x3FD2] =	sst s25  }
0xac: {  	s5 =	sshll.u32 s26, $0x1;
	_ =	strace $0x80000046;
	[dreg:$0x1] =	wrdreg $0xFFFFFFFF  }
0xad: {  	s28 =	simm.s32 $_size_execute0_lowered;
	s3 =	sadd.s32 s3, s5;
	[dreg:$0x0] =	wrdreg $0x0  }
0xae: {  	s5 =	sshll.u32 s28, $0x1;
	[dreg:$0x2] =	wrdreg s3  }
0xaf: {  	[dreg:$0x3] =	wrdreg s5  }
0xb0: {  	[dreg:$0x4] =	wrdreg $0xC0  }
0xb1: {  	_ =	task [dreg:s7], $0x5FFFF  }
0xb2: {  	[dreg:$0x1] =	wrdreg $0xFFFFFFFF  }
0xb3: {  	[dreg:$0x0] =	wrdreg $0x60  }
0xb4: {  	[dreg:$0x2] =	wrdreg s24  }
0xb5: {  	[dreg:$0x3] =	wrdreg s16  }
0xb6: {  	[dreg:$0x4] =	wrdreg $0x9  }
0xb7: {  	_ =	task.clear_ibuf [dreg:s7], $0x5FFFF;
	_ =	strace $0x90000046  }
0xb8: {  	s29 =	simm.s32 $0x9;
	_ =	strace $0x80000048  }
0xb9: {  	_ =	swait.ge [sflag:s29], $0x1  }
0xba: {  	[sflag:s29] =	ssyncadd.s32 $0xFFFFFFFF  }
0xbb: {  	_ =	strace $0x90000048  }
0xbc: {  	_ =	sfence  }
0xbd: {  	s30 =	sld [smem:$0x0];
	_ =	sdelay $0x2  }
0xbe: {  	s31 =	sshll.u32 s1, $0xD;
	s1 =	sshrl.u32 s1, $0x2  }
0xbf: {  	s3 =	sand.u32 $0x4000, s31;
	s1 =	sadd.s32 s1, s30  }
0xc0: {  	s0 =	sor.u32 s3, s0;
	s1 =	sshll.u32 s1, $0x11  }
0xc1: {  	s0 =	sor.u32 s1, s0  }
0xc2: {  	s0 =	sadd.s32 $0x8F2B, s0  }
0xc3: {  	[sflag:s0] =	ssyncadd.remote.s32 $0x1  }
0xc4: {  	_ =	sfence.sel $0xFFFF  }
0xc5: {  	[dreg:$0x0] =	wrdreg $0xFFFFFFFF;
	(pc) =	sbr.abs _section_cstart, $3  }
0xc6: {  	[dreg:$0x1] =	wrdreg $0xFFFFFFFF  }
0xc7: {  	_ =	task.clear_ibuf [dreg:s7], $0x2FFFF;
	_ =	strace $0x9FFFFFFF  }
0xc8: {  	(tm) =	ssettm $0x7FFFFFFF  }
0xc9: {  	_ =	shalt  }
tec
execute0_lowered:
.L_overlay_start_1:
0x0: {  	(tag) =	ssettag $0x1  }
0x1: {  	s1 =	srdreg.scid  }
0x2: {  	s8 =	rddreg [dreg:$0x0];
	s0 =	stileid.u32  }
0x3: {  	s3 =	rddreg [dreg:$0x1];
	s2 =	simm.s32 $0x0;
	s6 =	sand.u32 $0x1, s1  }
0x4: {  	s4 =	sshll.u32 s0, $0x8;
	s1 =	rddreg [dreg:$0x2];
	s5 =	sshll.u32 s6, $0x7  }
0x5: {  	s7 =	simm.s32 $0x1;
	[smem:$0x7FF] =	sst s2;
	s9 =	sor.u32 s5, s4  }
0x6: {  	_ =	strace $0x80000047;
	s10 =	ssub.s32 $0x2, s6;
	s4 =	sshrl.u32 s9, $0x3  }
0x7: {  	s6 =	simm.s32 $0x80;
	s4 =	sadd.s32 s3, s4;
	s3 =	simm.s32 $0x2  }
0x8: {  	[tilespmem:s2], [sflag:$0x2] =	stream.linear.gather [hbm4b:s4+s2], $0x80, $0x38;
	[tilespmem:$0x4080] =	vst v63  }
0x9: {  	s5 =	sadd.s32 $0x187A00, s8;
	s11 =	sshrl.u32 s10, $0x1;
	_ =	swait.ge [sflag:s3], $0x80  }
0xa: {  	s9 =	sshll.u32 s9, $0x4;
	s31 =	ssub.s32 s10, s11;
	[sflag:s3] =	ssyncset.done $0x0  }
0xb: {  	s8 =	sadd.s32 s9, s8;
	s9 =	smax.u32 s31, $0x1;
	[sflag:s3] =	ssyncadd.s32 $0xFFFFFF80  }
0xc: {  	[tilespmem:s6], [sflag:$0x1] =	stream.indirect.gather [hbm4b:s5+s6], $0x80, s2, s6, $0xb8;
	[tilespmem:$0x4080] =	vst v63  }
0xd: {  	p0 =	sne.s32 s9, $0x1;
	_ =	swait.ge [sflag:s7], $0x4000  }
.Ltmp0:
0xe: {  	[sflag:s7] =	ssyncset.done $0x0;
	(pc) =	sbr.rel @!p0 .LBB2_2-.Ltmp0, $4  }
0xf: {  	s8 =	sadd.s32 $0x1000, s8;
	[sflag:s7] =	ssyncadd.s32 $0xFFFFC000  }
0x10: {  	[hbm4b:s8+s2] =	stream.linear.scatter [tilespmem:s6], [sflag:$0x2], $0x4000, $0x38;
	[tilespmem:$0x4080] =	vst v63  }
0x11: {  	_ =	swait.ge [sflag:s3], $0x4000  }
0x12: {  	s9 =	sadd.s32 $0xFFFFFFFF, s9;
	[sflag:s3] =	ssyncset.done $0x0  }
.LBB2_1:
0x13: {  	p0 =	sne.s32 s9, $0x1;
	s9 =	sadd.s32 $0xFFFFFFFF, s9;
	[sflag:s3] =	ssyncadd.s32 $0xFFFFC000  }
0x14: {  	[tilespmem:s2], [sflag:$0x2] =	stream.linear.gather [hbm4b:s4+s2], $0x80, $0x38;
	[tilespmem:$0x4080] =	vst v63  }
0x15: {  	_ =	swait.ge [sflag:s3], $0x80  }
0x16: {  	[sflag:s3] =	ssyncset.done $0x0  }
0x17: {  	[sflag:s3] =	ssyncadd.s32 $0xFFFFFF80  }
0x18: {  	[tilespmem:s6], [sflag:$0x1] =	stream.indirect.gather [hbm4b:s5+s6], $0x80, s2, s6, $0xb8;
	[tilespmem:$0x4080] =	vst v63  }
0x19: {  	_ =	swait.ge [sflag:s7], $0x4000  }
.Ltmp1:
0x1a: {  	[sflag:s7] =	ssyncset.done $0x0;
	(pc) =	sbr.rel @p0 .LBB2_1-.Ltmp1, $4  }
0x1b: {  	[sflag:s7] =	ssyncadd.s32 $0xFFFFC000  }
0x1c: {  	[hbm4b:s8+s2] =	stream.linear.scatter [tilespmem:s6], [sflag:$0x2], $0x4000, $0x38;
	[tilespmem:$0x4080] =	vst v63  }
0x1d: {  	_ =	swait.ge [sflag:s3], $0x4000  }
0x1e: {  	[sflag:s3] =	ssyncset.done $0x0  }
.LBB2_2:
0x1f: {  	[sflag:s3] =	ssyncadd.s32 $0xFFFFC000  }
0x20: {  	_ =	sfence.sel $0x180000  }
0x21: {  	[bflag:$0x0] =	sbarrier.arrive $0xFFFF  }
0x22: {  	p0 =	sne.s32 s0, $0x0;
	_ =	strace $0x90000047  }
0x23: {  	s0 =	sadd.s32 @!p0 $0x100000, s1;
	[bflag:$0x2] =	sbarrier.arrive $0xFFFF  }
0x24: {  	[sflag:s0] =	ssyncadd.tile.s32 @!p0 $0x1;
	_ =	shalt  }
.Lfunc_end2:
_tile_overlayer_lowered:
.L_overlay_start_2:
0x25: {  	(tag) =	ssettag $0x2  }
0x26: {  	s0 =	rddreg [dreg:$0x0];
	s2 =	stileid.u32  }
0x27: {  	s1 =	rddreg [dreg:$0x1];
	p0 =	sne.s32 s2, $0x0  }
0x28: {  	s3 =	rddreg [dreg:$0x2];
	[bflag:$0x3] =	sbarrier.arrive $0xFFFF;
	s2 =	simm.s32 @!p0 $0x1C02  }
0x29: {  	[timem:s3], [sflag:s2] =	dma.local @!p0 [hbm:s0], s1  }
0x2a: {  	s0 =	simm.s32 @!p0 $0x2  }
0x2b: {  	_ =	swait.ge @!p0 [sflag:s0], s1  }
0x2c: {  	s1 =	ssub.s32 @!p0 $0x0, s1;
	[sflag:s0] =	ssyncset.done @!p0 $0x0  }
0x2d: {  	[sflag:s0] =	ssyncadd.s32 @!p0 s1  }
0x2e: {  	[bflag:$0x3] =	sbarrier.arrive $0xFFFF  }
0x2f: {  	_ =	shalt  }

</sc_bundles>
